<compile_context>
chip_gen: v7x
topology: tpu7x:2x2x1
jax: 0.10.2.dev20260603
libtpu: 0.0.44.dev20260713+nightly
codegen_flags: <defaults>
</compile_context>

<pallas_src>
import functools

import jax
import jax.numpy as jnp
from jax import lax
from jax.experimental import pallas as pl
from jax.experimental.pallas import tpu as pltpu
from jax.experimental.pallas import tpu_sc as plsc

D = 128
_NC = 2
_NS = 16
_NW = _NC * _NS
_CHUNK = 128
_BN = 8192


def _sc_gather(value_vocab, path_vocab, idx_flat, n):
    per_col = n // _NW
    nch = per_col // _CHUNK
    mesh = plsc.VectorSubcoreMesh(core_axis_name="c", subcore_axis_name="s",
                                  num_cores=_NC)
    nbuf = 4

    @functools.partial(
        pl.kernel,
        mesh=mesh,
        out_type=jax.ShapeDtypeStruct((3 * n, D), jnp.float32),
        scratch_types=(
            [pltpu.VMEM((_CHUNK,), jnp.int32) for _ in range(nbuf)]
            + [pltpu.VMEM((_CHUNK, D), jnp.float32) for _ in range(nbuf)]
            + [pltpu.SemaphoreType.DMA for _ in range(2 * nbuf)]
        ),
    )
    def gather_kernel(vv, pv, idxh, out, *scratch):
        idx_bufs = scratch[0:nbuf]
        row_bufs = scratch[nbuf:2 * nbuf]
        gsems = scratch[2 * nbuf:3 * nbuf]
        wsems = scratch[3 * nbuf:4 * nbuf]
        wid = lax.axis_index("s") * _NC + lax.axis_index("c")
        tables = (vv, pv, vv)
        jobs = []
        for c in range(3):
            base0 = c * n + wid * per_col
            for j in range(nch):
                jobs.append((base0 + j * _CHUNK, tables[c]))
        njobs = len(jobs)
        gcp = [None] * nbuf
        wcp = [None] * nbuf

        def fire_gather(k):
            base, table = jobs[k]
            b = k % nbuf
            pltpu.sync_copy(idxh.at[pl.ds(base, _CHUNK)], idx_bufs[b])
            gcp[b] = pltpu.async_copy(table.at[idx_bufs[b]], row_bufs[b], gsems[b])

        for k in range(min(nbuf, njobs)):
            fire_gather(k)
        for k in range(njobs):
            b = k % nbuf
            gcp[b].wait()
            wcp[b] = pltpu.async_copy(row_bufs[b],
                                      out.at[pl.ds(jobs[k][0], _CHUNK)], wsems[b])
            if k + nbuf < njobs:
                wcp[b].wait()
                fire_gather(k + nbuf)
        for k in range(max(0, njobs - nbuf), njobs):
            wcp[k % nbuf].wait()

    return gather_kernel(value_vocab, path_vocab, idx_flat)


def _attn_body(ctx0, ctx1, ctx2, w_ref, a_ref, wd_ref, b_ref, out_ref,
               m_ref, s_ref, v_ref, *, nblk):
    i = pl.program_id(0)

    @pl.when(i == 0)
    def _():
        m_ref[0, 0] = -1e30
        s_ref[0, 0] = 0.0
        v_ref[...] = jnp.zeros_like(v_ref)

    cw = None
    for c, ref in enumerate((ctx0, ctx1, ctx2)):
        wc = w_ref[:, c * D:(c + 1) * D]
        part = lax.dot_general(ref[0], wc, (((1,), (1,)), ((), ())),
                               preferred_element_type=jnp.float32)
        cw = part if cw is None else cw + part
    combined = jnp.tanh(cw)
    z = lax.dot_general(combined, a_ref[...], (((1,), (1,)), ((), ())),
                        preferred_element_type=jnp.float32)
    m_old = m_ref[0, 0]
    m_new = jnp.maximum(m_old, jnp.max(z))
    corr = jnp.exp(m_old - m_new)
    p = jnp.exp(z - m_new)
    s_ref[0, 0] = s_ref[0, 0] * corr + jnp.sum(p)
    pv = lax.dot_general(p, combined, (((0,), (0,)), ((), ())),
                         preferred_element_type=jnp.float32)
    v_ref[...] = v_ref[...] * corr + pv
    m_ref[0, 0] = m_new

    @pl.when(i == nblk - 1)
    def _():
        code = v_ref[...] / s_ref[0, 0]
        y = lax.dot_general(code, wd_ref[...], (((1,), (0,)), ((), ())),
                            preferred_element_type=jnp.float32) + b_ref[...]
        out_ref[...] = 1.0 / (1.0 + jnp.exp(-y))


def _tc_attn(ctx3, W, a_row, W_dense, b_row, n):
    nblk = n // _BN
    small = lambda i: (0, 0)
    return pl.pallas_call(
        functools.partial(_attn_body, nblk=nblk),
        grid=(nblk,),
        in_specs=[
            pl.BlockSpec((1, _BN, D), lambda i: (0, i, 0)),
            pl.BlockSpec((1, _BN, D), lambda i: (1, i, 0)),
            pl.BlockSpec((1, _BN, D), lambda i: (2, i, 0)),
            pl.BlockSpec((D, 3 * D), small),
            pl.BlockSpec((1, D), small),
            pl.BlockSpec((D, D), small),
            pl.BlockSpec((1, D), small),
        ],
        out_specs=pl.BlockSpec((1, D), small),
        out_shape=jax.ShapeDtypeStruct((1, D), jnp.float32),
        scratch_shapes=[
            pltpu.SMEM((1, 1), jnp.float32),
            pltpu.SMEM((1, 1), jnp.float32),
            pltpu.VMEM((1, D), jnp.float32),
        ],
    )(ctx3, ctx3, ctx3, W, a_row, W_dense, b_row)


def kernel(inputs, value_vocab, path_vocab, W, attention_vector, W_dense, b_dense):
    n = inputs.shape[0]
    idx_flat = inputs.astype(jnp.int32).T.reshape(3 * n)
    ctx = _sc_gather(value_vocab, path_vocab, idx_flat, n)
    ctx3 = ctx.reshape(3, n, D)
    return _tc_attn(ctx3, W, attention_vector.reshape(1, D), W_dense,
                    b_dense.reshape(1, D), n)

# --- scband reference (transcript-rebuilt; emitter-appended) ---
"""Pipeline reference for scband-attention-code-vectorizer-40063454937143 (READ-ONLY COPY).

The authoritative reference and input builder live on the scoring server;
editing this copy changes nothing except your own understanding.
"""

import jax, jax.numpy as jnp
import numpy as np

N_CONTEXTS = 16384
VALUE_VOCAB = 1000000
PATH_VOCAB = 100000
D = 128
OUTPUT_DIM = 128


def setup_inputs(seed: int = 0) -> dict:
    key = jax.random.key(seed)
    k_idx, k_vv, k_pv, k_w, k_a, k_dw, k_db = jax.random.split(key, 7)
    # Each path-context row is (xs, pj, xt): source terminal, path id, target terminal.
    inputs = jax.random.randint(k_idx, (N_CONTEXTS, 3), 0, PATH_VOCAB).astype(jnp.int64)
    value_vocab = jax.random.normal(k_vv, (VALUE_VOCAB, D), dtype=jnp.float32) * 0.05
    path_vocab = jax.random.normal(k_pv, (PATH_VOCAB, D), dtype=jnp.float32) * 0.05
    W = jax.random.normal(k_w, (D, 3 * D), dtype=jnp.float32) * 0.05
    attention_vector = jax.random.normal(k_a, (D,), dtype=jnp.float32) * 0.05
    W_dense = jax.random.normal(k_dw, (D, OUTPUT_DIM), dtype=jnp.float32) * 0.05
    b_dense = jnp.zeros((OUTPUT_DIM,), dtype=jnp.float32)
    return {"inputs": inputs, "value_vocab": value_vocab, "path_vocab": path_vocab,
            "W": W, "attention_vector": attention_vector,
            "W_dense": W_dense, "b_dense": b_dense}


def reference(inputs, value_vocab, path_vocab, W, attention_vector, W_dense, b_dense):
    xs = inputs[:, 0]
    pj = inputs[:, 1]
    xt = inputs[:, 2]
    # embedding gathers (SparseCore-friendly)
    xs_emb = jnp.take(value_vocab, xs, axis=0)            # [N, D]
    pj_emb = jnp.take(path_vocab, pj, axis=0)             # [N, D]
    xt_emb = jnp.take(value_vocab, xt, axis=0)            # [N, D]
    context_vectors = jnp.concatenate([xs_emb, pj_emb, xt_emb], axis=1)  # [N, 3D]
    context_weights = jnp.matmul(context_vectors, W.T)    # [N, D]
    combined = jnp.tanh(context_weights)                   # [N, D]
    att_logits = jnp.matmul(combined, attention_vector[:, None])  # [N, 1]
    attention_weights = jax.nn.softmax(att_logits, axis=0)         # softmax over contexts
    code_vector = jnp.sum(combined * attention_weights, axis=0)    # [D]
    code_vector = code_vector.reshape(1, -1)                        # [1, D]
    output = jax.nn.sigmoid(jnp.matmul(code_vector, W_dense) + b_dense)  # [1, OUTPUT_DIM]
    return output

if __name__ == "__main__":
    import jax
    _d = setup_inputs()
    print(jax.jit(kernel)(*tuple(_d.values())))

</pallas_src>

<mosaic_0001>
#map = affine_map<(d0, d1) -> (0, 0)>
#map1 = affine_map<(d0, d1) -> (0)>
module attributes {stable_mosaic.version = 14 : i64} {
  func.func @gather_kernel(%arg0: i32, %arg1: i32, %arg2: memref<1000000x128xf32, #tpu.memory_space<hbm>>, %arg3: memref<100000x128xf32, #tpu.memory_space<hbm>>, %arg4: memref<49152xi32, #tpu.memory_space<hbm>>, %arg5: memref<49152x128xf32, #tpu.memory_space<hbm>>, %arg6: memref<128xi32, #tpu.memory_space<vmem>>, %arg7: memref<128xi32, #tpu.memory_space<vmem>>, %arg8: memref<128xi32, #tpu.memory_space<vmem>>, %arg9: memref<128xi32, #tpu.memory_space<vmem>>, %arg10: memref<128x128xf32, #tpu.memory_space<vmem>>, %arg11: memref<128x128xf32, #tpu.memory_space<vmem>>, %arg12: memref<128x128xf32, #tpu.memory_space<vmem>>, %arg13: memref<128x128xf32, #tpu.memory_space<vmem>>, %arg14: memref<!tpu.dma_semaphore, #tpu.memory_space<semaphore_mem>>, %arg15: memref<!tpu.dma_semaphore, #tpu.memory_space<semaphore_mem>>, %arg16: memref<!tpu.dma_semaphore, #tpu.memory_space<semaphore_mem>>, %arg17: memref<!tpu.dma_semaphore, #tpu.memory_space<semaphore_mem>>, %arg18: memref<!tpu.dma_semaphore, #tpu.memory_space<semaphore_mem>>, %arg19: memref<!tpu.dma_semaphore, #tpu.memory_space<semaphore_mem>>, %arg20: memref<!tpu.dma_semaphore, #tpu.memory_space<semaphore_mem>>, %arg21: memref<!tpu.dma_semaphore, #tpu.memory_space<semaphore_mem>>) attributes {dimension_semantics = [#tpu.dimension_semantics<core_parallel>, #tpu.dimension_semantics<subcore_parallel>], iteration_bounds = array<i64: 2, 16>, scalar_prefetch = 0 : i64, scratch_operands = 16 : i64, tpu.core_type = #tpu.core_type<sc_vector_subcore>, window_params = [{transform_indices = #map}, {transform_indices = #map}, {transform_indices = #map1}, {transform_indices = #map}]} {
    %mul3A = arith.constant 2 : i32
    %mul3A_0 = arith.muli %arg1, %mul3A : i32
    %add3A = arith.addi %mul3A_0, %arg0 : i32
    %mul3A_1 = arith.constant 512 : i32
    %mul3A_2 = arith.muli %add3A, %mul3A_1 : i32
    %add3A_3 = arith.constant 0 : i32
    %add3A_4 = arith.addi %add3A_3, %mul3A_2 : i32
    %add3A_5 = arith.constant 0 : i32
    %add3A_6 = arith.addi %add3A_4, %add3A_5 : i32
    %add3A_7 = arith.constant 128 : i32
    %add3A_8 = arith.addi %add3A_4, %add3A_7 : i32
    %add3A_9 = arith.constant 256 : i32
    %add3A_10 = arith.addi %add3A_4, %add3A_9 : i32
    %add3A_11 = arith.constant 384 : i32
    %add3A_12 = arith.addi %add3A_4, %add3A_11 : i32
    %mul3A_13 = arith.constant 512 : i32
    %mul3A_14 = arith.muli %add3A, %mul3A_13 : i32
    %add3A_15 = arith.constant 16384 : i32
    %add3A_16 = arith.addi %add3A_15, %mul3A_14 : i32
    %add3A_17 = arith.constant 0 : i32
    %add3A_18 = arith.addi %add3A_16, %add3A_17 : i32
    %add3A_19 = arith.constant 128 : i32
    %add3A_20 = arith.addi %add3A_16, %add3A_19 : i32
    %add3A_21 = arith.constant 256 : i32
    %add3A_22 = arith.addi %add3A_16, %add3A_21 : i32
    %add3A_23 = arith.constant 384 : i32
    %add3A_24 = arith.addi %add3A_16, %add3A_23 : i32
    %mul3A_25 = arith.constant 512 : i32
    %mul3A_26 = arith.muli %add3A, %mul3A_25 : i32
    %add3A_27 = arith.constant 32768 : i32
    %add3A_28 = arith.addi %add3A_27, %mul3A_26 : i32
    %add3A_29 = arith.constant 0 : i32
    %add3A_30 = arith.addi %add3A_28, %add3A_29 : i32
    %add3A_31 = arith.constant 128 : i32
    %add3A_32 = arith.addi %add3A_28, %add3A_31 : i32
    %add3A_33 = arith.constant 256 : i32
    %add3A_34 = arith.addi %add3A_28, %add3A_33 : i32
    %add3A_35 = arith.constant 384 : i32
    %add3A_36 = arith.addi %add3A_28, %add3A_35 : i32
    "tpu.region"() ({
      %run_scoped3A = tpu.sem_alloc : memref<!tpu.dma_semaphore, #tpu.memory_space<semaphore_mem>>
      %dma_start3A_203 = tpu.memref_slice %arg4[%add3A_6] : memref<49152xi32, #tpu.memory_space<hbm>> -> memref<128xi32, #tpu.memory_space<hbm>>
      %dma_start3A_204 = tpu.memref_slice %arg4[%add3A_6] : memref<49152xi32, #tpu.memory_space<hbm>> -> memref<128xi32, #tpu.memory_space<hbm>>
      tpu.enqueue_dma source(%dma_start3A_204 : memref<128xi32, #tpu.memory_space<hbm>>) target(%arg6 : memref<128xi32, #tpu.memory_space<vmem>>) target_semaphore(%run_scoped3A : memref<!tpu.dma_semaphore, #tpu.memory_space<semaphore_mem>>)
      %dma_wait3A_205 = tpu.memref_slice %arg4[%add3A_6] : memref<49152xi32, #tpu.memory_space<hbm>> -> memref<128xi32, #tpu.memory_space<hbm>>
      %dma_wait3A_206 = tpu.memref_slice %arg4[%add3A_6] : memref<49152xi32, #tpu.memory_space<hbm>> -> memref<128xi32, #tpu.memory_space<hbm>>
      tpu.wait_dma2 semaphore(%run_scoped3A : memref<!tpu.dma_semaphore, #tpu.memory_space<semaphore_mem>>) src(%dma_wait3A_206 : memref<128xi32, #tpu.memory_space<hbm>>) dst(%arg6 : memref<128xi32, #tpu.memory_space<vmem>>)
      tpu.yield
    }) : () -> ()
    %dma_start3A = arith.constant 0 : i32
    %dma_start3A_37 = arith.constant 0 : i32
    %dma_start3A_38 = tpu.memref_slice %arg2[%dma_start3A, %dma_start3A_37] : memref<1000000x128xf32, #tpu.memory_space<hbm>> -> memref<1000000x128xf32, #tpu.memory_space<hbm>>
    tpu.enqueue_indirect_dma source(%dma_start3A_38 : memref<1000000x128xf32, #tpu.memory_space<hbm>>) target(%arg10 : memref<128x128xf32, #tpu.memory_space<vmem>>) offsets(%arg6 : memref<128xi32, #tpu.memory_space<vmem>>) semaphore(%arg14 : memref<!tpu.dma_semaphore, #tpu.memory_space<semaphore_mem>>)
    "tpu.region"() ({
      %run_scoped3A = tpu.sem_alloc : memref<!tpu.dma_semaphore, #tpu.memory_space<semaphore_mem>>
      %dma_start3A_203 = tpu.memref_slice %arg4[%add3A_8] : memref<49152xi32, #tpu.memory_space<hbm>> -> memref<128xi32, #tpu.memory_space<hbm>>
      %dma_start3A_204 = tpu.memref_slice %arg4[%add3A_8] : memref<49152xi32, #tpu.memory_space<hbm>> -> memref<128xi32, #tpu.memory_space<hbm>>
      tpu.enqueue_dma source(%dma_start3A_204 : memref<128xi32, #tpu.memory_space<hbm>>) target(%arg7 : memref<128xi32, #tpu.memory_space<vmem>>) target_semaphore(%run_scoped3A : memref<!tpu.dma_semaphore, #tpu.memory_space<semaphore_mem>>)
      %dma_wait3A_205 = tpu.memref_slice %arg4[%add3A_8] : memref<49152xi32, #tpu.memory_space<hbm>> -> memref<128xi32, #tpu.memory_space<hbm>>
      %dma_wait3A_206 = tpu.memref_slice %arg4[%add3A_8] : memref<49152xi32, #tpu.memory_space<hbm>> -> memref<128xi32, #tpu.memory_space<hbm>>
      tpu.wait_dma2 semaphore(%run_scoped3A : memref<!tpu.dma_semaphore, #tpu.memory_space<semaphore_mem>>) src(%dma_wait3A_206 : memref<128xi32, #tpu.memory_space<hbm>>) dst(%arg7 : memref<128xi32, #tpu.memory_space<vmem>>)
      tpu.yield
    }) : () -> ()
    %dma_start3A_39 = arith.constant 0 : i32
    %dma_start3A_40 = arith.constant 0 : i32
    %dma_start3A_41 = tpu.memref_slice %arg2[%dma_start3A_39, %dma_start3A_40] : memref<1000000x128xf32, #tpu.memory_space<hbm>> -> memref<1000000x128xf32, #tpu.memory_space<hbm>>
    tpu.enqueue_indirect_dma source(%dma_start3A_41 : memref<1000000x128xf32, #tpu.memory_space<hbm>>) target(%arg11 : memref<128x128xf32, #tpu.memory_space<vmem>>) offsets(%arg7 : memref<128xi32, #tpu.memory_space<vmem>>) semaphore(%arg15 : memref<!tpu.dma_semaphore, #tpu.memory_space<semaphore_mem>>)
    "tpu.region"() ({
      %run_scoped3A = tpu.sem_alloc : memref<!tpu.dma_semaphore, #tpu.memory_space<semaphore_mem>>
      %dma_start3A_203 = tpu.memref_slice %arg4[%add3A_10] : memref<49152xi32, #tpu.memory_space<hbm>> -> memref<128xi32, #tpu.memory_space<hbm>>
      %dma_start3A_204 = tpu.memref_slice %arg4[%add3A_10] : memref<49152xi32, #tpu.memory_space<hbm>> -> memref<128xi32, #tpu.memory_space<hbm>>
      tpu.enqueue_dma source(%dma_start3A_204 : memref<128xi32, #tpu.memory_space<hbm>>) target(%arg8 : memref<128xi32, #tpu.memory_space<vmem>>) target_semaphore(%run_scoped3A : memref<!tpu.dma_semaphore, #tpu.memory_space<semaphore_mem>>)
      %dma_wait3A_205 = tpu.memref_slice %arg4[%add3A_10] : memref<49152xi32, #tpu.memory_space<hbm>> -> memref<128xi32, #tpu.memory_space<hbm>>
      %dma_wait3A_206 = tpu.memref_slice %arg4[%add3A_10] : memref<49152xi32, #tpu.memory_space<hbm>> -> memref<128xi32, #tpu.memory_space<hbm>>
      tpu.wait_dma2 semaphore(%run_scoped3A : memref<!tpu.dma_semaphore, #tpu.memory_space<semaphore_mem>>) src(%dma_wait3A_206 : memref<128xi32, #tpu.memory_space<hbm>>) dst(%arg8 : memref<128xi32, #tpu.memory_space<vmem>>)
      tpu.yield
    }) : () -> ()
    %dma_start3A_42 = arith.constant 0 : i32
    %dma_start3A_43 = arith.constant 0 : i32
    %dma_start3A_44 = tpu.memref_slice %arg2[%dma_start3A_42, %dma_start3A_43] : memref<1000000x128xf32, #tpu.memory_space<hbm>> -> memref<1000000x128xf32, #tpu.memory_space<hbm>>
    tpu.enqueue_indirect_dma source(%dma_start3A_44 : memref<1000000x128xf32, #tpu.memory_space<hbm>>) target(%arg12 : memref<128x128xf32, #tpu.memory_space<vmem>>) offsets(%arg8 : memref<128xi32, #tpu.memory_space<vmem>>) semaphore(%arg16 : memref<!tpu.dma_semaphore, #tpu.memory_space<semaphore_mem>>)
    "tpu.region"() ({
      %run_scoped3A = tpu.sem_alloc : memref<!tpu.dma_semaphore, #tpu.memory_space<semaphore_mem>>
      %dma_start3A_203 = tpu.memref_slice %arg4[%add3A_12] : memref<49152xi32, #tpu.memory_space<hbm>> -> memref<128xi32, #tpu.memory_space<hbm>>
      %dma_start3A_204 = tpu.memref_slice %arg4[%add3A_12] : memref<49152xi32, #tpu.memory_space<hbm>> -> memref<128xi32, #tpu.memory_space<hbm>>
      tpu.enqueue_dma source(%dma_start3A_204 : memref<128xi32, #tpu.memory_space<hbm>>) target(%arg9 : memref<128xi32, #tpu.memory_space<vmem>>) target_semaphore(%run_scoped3A : memref<!tpu.dma_semaphore, #tpu.memory_space<semaphore_mem>>)
      %dma_wait3A_205 = tpu.memref_slice %arg4[%add3A_12] : memref<49152xi32, #tpu.memory_space<hbm>> -> memref<128xi32, #tpu.memory_space<hbm>>
      %dma_wait3A_206 = tpu.memref_slice %arg4[%add3A_12] : memref<49152xi32, #tpu.memory_space<hbm>> -> memref<128xi32, #tpu.memory_space<hbm>>
      tpu.wait_dma2 semaphore(%run_scoped3A : memref<!tpu.dma_semaphore, #tpu.memory_space<semaphore_mem>>) src(%dma_wait3A_206 : memref<128xi32, #tpu.memory_space<hbm>>) dst(%arg9 : memref<128xi32, #tpu.memory_space<vmem>>)
      tpu.yield
    }) : () -> ()
    %dma_start3A_45 = arith.constant 0 : i32
    %dma_start3A_46 = arith.constant 0 : i32
    %dma_start3A_47 = tpu.memref_slice %arg2[%dma_start3A_45, %dma_start3A_46] : memref<1000000x128xf32, #tpu.memory_space<hbm>> -> memref<1000000x128xf32, #tpu.memory_space<hbm>>
    tpu.enqueue_indirect_dma source(%dma_start3A_47 : memref<1000000x128xf32, #tpu.memory_space<hbm>>) target(%arg13 : memref<128x128xf32, #tpu.memory_space<vmem>>) offsets(%arg9 : memref<128xi32, #tpu.memory_space<vmem>>) semaphore(%arg17 : memref<!tpu.dma_semaphore, #tpu.memory_space<semaphore_mem>>)
    %dma_wait3A = arith.constant 0 : i32
    %dma_wait3A_48 = arith.constant 0 : i32
    %dma_wait3A_49 = tpu.memref_slice %arg2[%dma_wait3A, %dma_wait3A_48] : memref<1000000x128xf32, #tpu.memory_space<hbm>> -> memref<1000000x128xf32, #tpu.memory_space<hbm>>
    tpu.wait_indirect_dma semaphore(%arg14 : memref<!tpu.dma_semaphore, #tpu.memory_space<semaphore_mem>>) src(%dma_wait3A_49 : memref<1000000x128xf32, #tpu.memory_space<hbm>>) dst(%arg10 : memref<128x128xf32, #tpu.memory_space<vmem>>)
    %dma_start3A_50 = arith.constant 0 : i32
    %dma_start3A_51 = tpu.memref_slice %arg5[%add3A_6, %dma_start3A_50] : memref<49152x128xf32, #tpu.memory_space<hbm>> -> memref<128x128xf32, #tpu.memory_space<hbm>>
    %dma_start3A_52 = arith.constant 0 : i32
    %dma_start3A_53 = tpu.memref_slice %arg5[%add3A_6, %dma_start3A_52] : memref<49152x128xf32, #tpu.memory_space<hbm>> -> memref<128x128xf32, #tpu.memory_space<hbm>>
    tpu.enqueue_dma source(%arg10 : memref<128x128xf32, #tpu.memory_space<vmem>>) target(%dma_start3A_53 : memref<128x128xf32, #tpu.memory_space<hbm>>) target_semaphore(%arg18 : memref<!tpu.dma_semaphore, #tpu.memory_space<semaphore_mem>>)
    %dma_wait3A_54 = arith.constant 0 : i32
    %dma_wait3A_55 = tpu.memref_slice %arg5[%add3A_6, %dma_wait3A_54] : memref<49152x128xf32, #tpu.memory_space<hbm>> -> memref<128x128xf32, #tpu.memory_space<hbm>>
    %dma_wait3A_56 = arith.constant 0 : i32
    %dma_wait3A_57 = tpu.memref_slice %arg5[%add3A_6, %dma_wait3A_56] : memref<49152x128xf32, #tpu.memory_space<hbm>> -> memref<128x128xf32, #tpu.memory_space<hbm>>
    tpu.wait_dma2 semaphore(%arg18 : memref<!tpu.dma_semaphore, #tpu.memory_space<semaphore_mem>>) src(%arg10 : memref<128x128xf32, #tpu.memory_space<vmem>>) dst(%dma_wait3A_57 : memref<128x128xf32, #tpu.memory_space<hbm>>)
    "tpu.region"() ({
      %run_scoped3A = tpu.sem_alloc : memref<!tpu.dma_semaphore, #tpu.memory_space<semaphore_mem>>
      %dma_start3A_203 = tpu.memref_slice %arg4[%add3A_18] : memref<49152xi32, #tpu.memory_space<hbm>> -> memref<128xi32, #tpu.memory_space<hbm>>
      %dma_start3A_204 = tpu.memref_slice %arg4[%add3A_18] : memref<49152xi32, #tpu.memory_space<hbm>> -> memref<128xi32, #tpu.memory_space<hbm>>
      tpu.enqueue_dma source(%dma_start3A_204 : memref<128xi32, #tpu.memory_space<hbm>>) target(%arg6 : memref<128xi32, #tpu.memory_space<vmem>>) target_semaphore(%run_scoped3A : memref<!tpu.dma_semaphore, #tpu.memory_space<semaphore_mem>>)
      %dma_wait3A_205 = tpu.memref_slice %arg4[%add3A_18] : memref<49152xi32, #tpu.memory_space<hbm>> -> memref<128xi32, #tpu.memory_space<hbm>>
      %dma_wait3A_206 = tpu.memref_slice %arg4[%add3A_18] : memref<49152xi32, #tpu.memory_space<hbm>> -> memref<128xi32, #tpu.memory_space<hbm>>
      tpu.wait_dma2 semaphore(%run_scoped3A : memref<!tpu.dma_semaphore, #tpu.memory_space<semaphore_mem>>) src(%dma_wait3A_206 : memref<128xi32, #tpu.memory_space<hbm>>) dst(%arg6 : memref<128xi32, #tpu.memory_space<vmem>>)
      tpu.yield
    }) : () -> ()
    %dma_start3A_58 = arith.constant 0 : i32
    %dma_start3A_59 = arith.constant 0 : i32
    %dma_start3A_60 = tpu.memref_slice %arg3[%dma_start3A_58, %dma_start3A_59] : memref<100000x128xf32, #tpu.memory_space<hbm>> -> memref<100000x128xf32, #tpu.memory_space<hbm>>
    tpu.enqueue_indirect_dma source(%dma_start3A_60 : memref<100000x128xf32, #tpu.memory_space<hbm>>) target(%arg10 : memref<128x128xf32, #tpu.memory_space<vmem>>) offsets(%arg6 : memref<128xi32, #tpu.memory_space<vmem>>) semaphore(%arg14 : memref<!tpu.dma_semaphore, #tpu.memory_space<semaphore_mem>>)
    %dma_wait3A_61 = arith.constant 0 : i32
    %dma_wait3A_62 = arith.constant 0 : i32
    %dma_wait3A_63 = tpu.memref_slice %arg2[%dma_wait3A_61, %dma_wait3A_62] : memref<1000000x128xf32, #tpu.memory_space<hbm>> -> memref<1000000x128xf32, #tpu.memory_space<hbm>>
    tpu.wait_indirect_dma semaphore(%arg15 : memref<!tpu.dma_semaphore, #tpu.memory_space<semaphore_mem>>) src(%dma_wait3A_63 : memref<1000000x128xf32, #tpu.memory_space<hbm>>) dst(%arg11 : memref<128x128xf32, #tpu.memory_space<vmem>>)
    %dma_start3A_64 = arith.constant 0 : i32
    %dma_start3A_65 = tpu.memref_slice %arg5[%add3A_8, %dma_start3A_64] : memref<49152x128xf32, #tpu.memory_space<hbm>> -> memref<128x128xf32, #tpu.memory_space<hbm>>
    %dma_start3A_66 = arith.constant 0 : i32
    %dma_start3A_67 = tpu.memref_slice %arg5[%add3A_8, %dma_start3A_66] : memref<49152x128xf32, #tpu.memory_space<hbm>> -> memref<128x128xf32, #tpu.memory_space<hbm>>
    tpu.enqueue_dma source(%arg11 : memref<128x128xf32, #tpu.memory_space<vmem>>) target(%dma_start3A_67 : memref<128x128xf32, #tpu.memory_space<hbm>>) target_semaphore(%arg19 : memref<!tpu.dma_semaphore, #tpu.memory_space<semaphore_mem>>)
    %dma_wait3A_68 = arith.constant 0 : i32
    %dma_wait3A_69 = tpu.memref_slice %arg5[%add3A_8, %dma_wait3A_68] : memref<49152x128xf32, #tpu.memory_space<hbm>> -> memref<128x128xf32, #tpu.memory_space<hbm>>
    %dma_wait3A_70 = arith.constant 0 : i32
    %dma_wait3A_71 = tpu.memref_slice %arg5[%add3A_8, %dma_wait3A_70] : memref<49152x128xf32, #tpu.memory_space<hbm>> -> memref<128x128xf32, #tpu.memory_space<hbm>>
    tpu.wait_dma2 semaphore(%arg19 : memref<!tpu.dma_semaphore, #tpu.memory_space<semaphore_mem>>) src(%arg11 : memref<128x128xf32, #tpu.memory_space<vmem>>) dst(%dma_wait3A_71 : memref<128x128xf32, #tpu.memory_space<hbm>>)
    "tpu.region"() ({
      %run_scoped3A = tpu.sem_alloc : memref<!tpu.dma_semaphore, #tpu.memory_space<semaphore_mem>>
      %dma_start3A_203 = tpu.memref_slice %arg4[%add3A_20] : memref<49152xi32, #tpu.memory_space<hbm>> -> memref<128xi32, #tpu.memory_space<hbm>>
      %dma_start3A_204 = tpu.memref_slice %arg4[%add3A_20] : memref<49152xi32, #tpu.memory_space<hbm>> -> memref<128xi32, #tpu.memory_space<hbm>>
      tpu.enqueue_dma source(%dma_start3A_204 : memref<128xi32, #tpu.memory_space<hbm>>) target(%arg7 : memref<128xi32, #tpu.memory_space<vmem>>) target_semaphore(%run_scoped3A : memref<!tpu.dma_semaphore, #tpu.memory_space<semaphore_mem>>)
      %dma_wait3A_205 = tpu.memref_slice %arg4[%add3A_20] : memref<49152xi32, #tpu.memory_space<hbm>> -> memref<128xi32, #tpu.memory_space<hbm>>
      %dma_wait3A_206 = tpu.memref_slice %arg4[%add3A_20] : memref<49152xi32, #tpu.memory_space<hbm>> -> memref<128xi32, #tpu.memory_space<hbm>>
      tpu.wait_dma2 semaphore(%run_scoped3A : memref<!tpu.dma_semaphore, #tpu.memory_space<semaphore_mem>>) src(%dma_wait3A_206 : memref<128xi32, #tpu.memory_space<hbm>>) dst(%arg7 : memref<128xi32, #tpu.memory_space<vmem>>)
      tpu.yield
    }) : () -> ()
    %dma_start3A_72 = arith.constant 0 : i32
    %dma_start3A_73 = arith.constant 0 : i32
    %dma_start3A_74 = tpu.memref_slice %arg3[%dma_start3A_72, %dma_start3A_73] : memref<100000x128xf32, #tpu.memory_space<hbm>> -> memref<100000x128xf32, #tpu.memory_space<hbm>>
    tpu.enqueue_indirect_dma source(%dma_start3A_74 : memref<100000x128xf32, #tpu.memory_space<hbm>>) target(%arg11 : memref<128x128xf32, #tpu.memory_space<vmem>>) offsets(%arg7 : memref<128xi32, #tpu.memory_space<vmem>>) semaphore(%arg15 : memref<!tpu.dma_semaphore, #tpu.memory_space<semaphore_mem>>)
    %dma_wait3A_75 = arith.constant 0 : i32
    %dma_wait3A_76 = arith.constant 0 : i32
    %dma_wait3A_77 = tpu.memref_slice %arg2[%dma_wait3A_75, %dma_wait3A_76] : memref<1000000x128xf32, #tpu.memory_space<hbm>> -> memref<1000000x128xf32, #tpu.memory_space<hbm>>
    tpu.wait_indirect_dma semaphore(%arg16 : memref<!tpu.dma_semaphore, #tpu.memory_space<semaphore_mem>>) src(%dma_wait3A_77 : memref<1000000x128xf32, #tpu.memory_space<hbm>>) dst(%arg12 : memref<128x128xf32, #tpu.memory_space<vmem>>)
    %dma_start3A_78 = arith.constant 0 : i32
    %dma_start3A_79 = tpu.memref_slice %arg5[%add3A_10, %dma_start3A_78] : memref<49152x128xf32, #tpu.memory_space<hbm>> -> memref<128x128xf32, #tpu.memory_space<hbm>>
    %dma_start3A_80 = arith.constant 0 : i32
    %dma_start3A_81 = tpu.memref_slice %arg5[%add3A_10, %dma_start3A_80] : memref<49152x128xf32, #tpu.memory_space<hbm>> -> memref<128x128xf32, #tpu.memory_space<hbm>>
    tpu.enqueue_dma source(%arg12 : memref<128x128xf32, #tpu.memory_space<vmem>>) target(%dma_start3A_81 : memref<128x128xf32, #tpu.memory_space<hbm>>) target_semaphore(%arg20 : memref<!tpu.dma_semaphore, #tpu.memory_space<semaphore_mem>>)
    %dma_wait3A_82 = arith.constant 0 : i32
    %dma_wait3A_83 = tpu.memref_slice %arg5[%add3A_10, %dma_wait3A_82] : memref<49152x128xf32, #tpu.memory_space<hbm>> -> memref<128x128xf32, #tpu.memory_space<hbm>>
    %dma_wait3A_84 = arith.constant 0 : i32
    %dma_wait3A_85 = tpu.memref_slice %arg5[%add3A_10, %dma_wait3A_84] : memref<49152x128xf32, #tpu.memory_space<hbm>> -> memref<128x128xf32, #tpu.memory_space<hbm>>
    tpu.wait_dma2 semaphore(%arg20 : memref<!tpu.dma_semaphore, #tpu.memory_space<semaphore_mem>>) src(%arg12 : memref<128x128xf32, #tpu.memory_space<vmem>>) dst(%dma_wait3A_85 : memref<128x128xf32, #tpu.memory_space<hbm>>)
    "tpu.region"() ({
      %run_scoped3A = tpu.sem_alloc : memref<!tpu.dma_semaphore, #tpu.memory_space<semaphore_mem>>
      %dma_start3A_203 = tpu.memref_slice %arg4[%add3A_22] : memref<49152xi32, #tpu.memory_space<hbm>> -> memref<128xi32, #tpu.memory_space<hbm>>
      %dma_start3A_204 = tpu.memref_slice %arg4[%add3A_22] : memref<49152xi32, #tpu.memory_space<hbm>> -> memref<128xi32, #tpu.memory_space<hbm>>
      tpu.enqueue_dma source(%dma_start3A_204 : memref<128xi32, #tpu.memory_space<hbm>>) target(%arg8 : memref<128xi32, #tpu.memory_space<vmem>>) target_semaphore(%run_scoped3A : memref<!tpu.dma_semaphore, #tpu.memory_space<semaphore_mem>>)
      %dma_wait3A_205 = tpu.memref_slice %arg4[%add3A_22] : memref<49152xi32, #tpu.memory_space<hbm>> -> memref<128xi32, #tpu.memory_space<hbm>>
      %dma_wait3A_206 = tpu.memref_slice %arg4[%add3A_22] : memref<49152xi32, #tpu.memory_space<hbm>> -> memref<128xi32, #tpu.memory_space<hbm>>
      tpu.wait_dma2 semaphore(%run_scoped3A : memref<!tpu.dma_semaphore, #tpu.memory_space<semaphore_mem>>) src(%dma_wait3A_206 : memref<128xi32, #tpu.memory_space<hbm>>) dst(%arg8 : memref<128xi32, #tpu.memory_space<vmem>>)
      tpu.yield
    }) : () -> ()
    %dma_start3A_86 = arith.constant 0 : i32
    %dma_start3A_87 = arith.constant 0 : i32
    %dma_start3A_88 = tpu.memref_slice %arg3[%dma_start3A_86, %dma_start3A_87] : memref<100000x128xf32, #tpu.memory_space<hbm>> -> memref<100000x128xf32, #tpu.memory_space<hbm>>
    tpu.enqueue_indirect_dma source(%dma_start3A_88 : memref<100000x128xf32, #tpu.memory_space<hbm>>) target(%arg12 : memref<128x128xf32, #tpu.memory_space<vmem>>) offsets(%arg8 : memref<128xi32, #tpu.memory_space<vmem>>) semaphore(%arg16 : memref<!tpu.dma_semaphore, #tpu.memory_space<semaphore_mem>>)
    %dma_wait3A_89 = arith.constant 0 : i32
    %dma_wait3A_90 = arith.constant 0 : i32
    %dma_wait3A_91 = tpu.memref_slice %arg2[%dma_wait3A_89, %dma_wait3A_90] : memref<1000000x128xf32, #tpu.memory_space<hbm>> -> memref<1000000x128xf32, #tpu.memory_space<hbm>>
    tpu.wait_indirect_dma semaphore(%arg17 : memref<!tpu.dma_semaphore, #tpu.memory_space<semaphore_mem>>) src(%dma_wait3A_91 : memref<1000000x128xf32, #tpu.memory_space<hbm>>) dst(%arg13 : memref<128x128xf32, #tpu.memory_space<vmem>>)
    %dma_start3A_92 = arith.constant 0 : i32
    %dma_start3A_93 = tpu.memref_slice %arg5[%add3A_12, %dma_start3A_92] : memref<49152x128xf32, #tpu.memory_space<hbm>> -> memref<128x128xf32, #tpu.memory_space<hbm>>
    %dma_start3A_94 = arith.constant 0 : i32
    %dma_start3A_95 = tpu.memref_slice %arg5[%add3A_12, %dma_start3A_94] : memref<49152x128xf32, #tpu.memory_space<hbm>> -> memref<128x128xf32, #tpu.memory_space<hbm>>
    tpu.enqueue_dma source(%arg13 : memref<128x128xf32, #tpu.memory_space<vmem>>) target(%dma_start3A_95 : memref<128x128xf32, #tpu.memory_space<hbm>>) target_semaphore(%arg21 : memref<!tpu.dma_semaphore, #tpu.memory_space<semaphore_mem>>)
    %dma_wait3A_96 = arith.constant 0 : i32
    %dma_wait3A_97 = tpu.memref_slice %arg5[%add3A_12, %dma_wait3A_96] : memref<49152x128xf32, #tpu.memory_space<hbm>> -> memref<128x128xf32, #tpu.memory_space<hbm>>
    %dma_wait3A_98 = arith.constant 0 : i32
    %dma_wait3A_99 = tpu.memref_slice %arg5[%add3A_12, %dma_wait3A_98] : memref<49152x128xf32, #tpu.memory_space<hbm>> -> memref<128x128xf32, #tpu.memory_space<hbm>>
    tpu.wait_dma2 semaphore(%arg21 : memref<!tpu.dma_semaphore, #tpu.memory_space<semaphore_mem>>) src(%arg13 : memref<128x128xf32, #tpu.memory_space<vmem>>) dst(%dma_wait3A_99 : memref<128x128xf32, #tpu.memory_space<hbm>>)
    "tpu.region"() ({
      %run_scoped3A = tpu.sem_alloc : memref<!tpu.dma_semaphore, #tpu.memory_space<semaphore_mem>>
      %dma_start3A_203 = tpu.memref_slice %arg4[%add3A_24] : memref<49152xi32, #tpu.memory_space<hbm>> -> memref<128xi32, #tpu.memory_space<hbm>>
      %dma_start3A_204 = tpu.memref_slice %arg4[%add3A_24] : memref<49152xi32, #tpu.memory_space<hbm>> -> memref<128xi32, #tpu.memory_space<hbm>>
      tpu.enqueue_dma source(%dma_start3A_204 : memref<128xi32, #tpu.memory_space<hbm>>) target(%arg9 : memref<128xi32, #tpu.memory_space<vmem>>) target_semaphore(%run_scoped3A : memref<!tpu.dma_semaphore, #tpu.memory_space<semaphore_mem>>)
      %dma_wait3A_205 = tpu.memref_slice %arg4[%add3A_24] : memref<49152xi32, #tpu.memory_space<hbm>> -> memref<128xi32, #tpu.memory_space<hbm>>
      %dma_wait3A_206 = tpu.memref_slice %arg4[%add3A_24] : memref<49152xi32, #tpu.memory_space<hbm>> -> memref<128xi32, #tpu.memory_space<hbm>>
      tpu.wait_dma2 semaphore(%run_scoped3A : memref<!tpu.dma_semaphore, #tpu.memory_space<semaphore_mem>>) src(%dma_wait3A_206 : memref<128xi32, #tpu.memory_space<hbm>>) dst(%arg9 : memref<128xi32, #tpu.memory_space<vmem>>)
      tpu.yield
    }) : () -> ()
    %dma_start3A_100 = arith.constant 0 : i32
    %dma_start3A_101 = arith.constant 0 : i32
    %dma_start3A_102 = tpu.memref_slice %arg3[%dma_start3A_100, %dma_start3A_101] : memref<100000x128xf32, #tpu.memory_space<hbm>> -> memref<100000x128xf32, #tpu.memory_space<hbm>>
    tpu.enqueue_indirect_dma source(%dma_start3A_102 : memref<100000x128xf32, #tpu.memory_space<hbm>>) target(%arg13 : memref<128x128xf32, #tpu.memory_space<vmem>>) offsets(%arg9 : memref<128xi32, #tpu.memory_space<vmem>>) semaphore(%arg17 : memref<!tpu.dma_semaphore, #tpu.memory_space<semaphore_mem>>)
    %dma_wait3A_103 = arith.constant 0 : i32
    %dma_wait3A_104 = arith.constant 0 : i32
    %dma_wait3A_105 = tpu.memref_slice %arg3[%dma_wait3A_103, %dma_wait3A_104] : memref<100000x128xf32, #tpu.memory_space<hbm>> -> memref<100000x128xf32, #tpu.memory_space<hbm>>
    tpu.wait_indirect_dma semaphore(%arg14 : memref<!tpu.dma_semaphore, #tpu.memory_space<semaphore_mem>>) src(%dma_wait3A_105 : memref<100000x128xf32, #tpu.memory_space<hbm>>) dst(%arg10 : memref<128x128xf32, #tpu.memory_space<vmem>>)
    %dma_start3A_106 = arith.constant 0 : i32
    %dma_start3A_107 = tpu.memref_slice %arg5[%add3A_18, %dma_start3A_106] : memref<49152x128xf32, #tpu.memory_space<hbm>> -> memref<128x128xf32, #tpu.memory_space<hbm>>
    %dma_start3A_108 = arith.constant 0 : i32
    %dma_start3A_109 = tpu.memref_slice %arg5[%add3A_18, %dma_start3A_108] : memref<49152x128xf32, #tpu.memory_space<hbm>> -> memref<128x128xf32, #tpu.memory_space<hbm>>
    tpu.enqueue_dma source(%arg10 : memref<128x128xf32, #tpu.memory_space<vmem>>) target(%dma_start3A_109 : memref<128x128xf32, #tpu.memory_space<hbm>>) target_semaphore(%arg18 : memref<!tpu.dma_semaphore, #tpu.memory_space<semaphore_mem>>)
    %dma_wait3A_110 = arith.constant 0 : i32
    %dma_wait3A_111 = tpu.memref_slice %arg5[%add3A_18, %dma_wait3A_110] : memref<49152x128xf32, #tpu.memory_space<hbm>> -> memref<128x128xf32, #tpu.memory_space<hbm>>
    %dma_wait3A_112 = arith.constant 0 : i32
    %dma_wait3A_113 = tpu.memref_slice %arg5[%add3A_18, %dma_wait3A_112] : memref<49152x128xf32, #tpu.memory_space<hbm>> -> memref<128x128xf32, #tpu.memory_space<hbm>>
    tpu.wait_dma2 semaphore(%arg18 : memref<!tpu.dma_semaphore, #tpu.memory_space<semaphore_mem>>) src(%arg10 : memref<128x128xf32, #tpu.memory_space<vmem>>) dst(%dma_wait3A_113 : memref<128x128xf32, #tpu.memory_space<hbm>>)
    "tpu.region"() ({
      %run_scoped3A = tpu.sem_alloc : memref<!tpu.dma_semaphore, #tpu.memory_space<semaphore_mem>>
      %dma_start3A_203 = tpu.memref_slice %arg4[%add3A_30] : memref<49152xi32, #tpu.memory_space<hbm>> -> memref<128xi32, #tpu.memory_space<hbm>>
      %dma_start3A_204 = tpu.memref_slice %arg4[%add3A_30] : memref<49152xi32, #tpu.memory_space<hbm>> -> memref<128xi32, #tpu.memory_space<hbm>>
      tpu.enqueue_dma source(%dma_start3A_204 : memref<128xi32, #tpu.memory_space<hbm>>) target(%arg6 : memref<128xi32, #tpu.memory_space<vmem>>) target_semaphore(%run_scoped3A : memref<!tpu.dma_semaphore, #tpu.memory_space<semaphore_mem>>)
      %dma_wait3A_205 = tpu.memref_slice %arg4[%add3A_30] : memref<49152xi32, #tpu.memory_space<hbm>> -> memref<128xi32, #tpu.memory_space<hbm>>
      %dma_wait3A_206 = tpu.memref_slice %arg4[%add3A_30] : memref<49152xi32, #tpu.memory_space<hbm>> -> memref<128xi32, #tpu.memory_space<hbm>>
      tpu.wait_dma2 semaphore(%run_scoped3A : memref<!tpu.dma_semaphore, #tpu.memory_space<semaphore_mem>>) src(%dma_wait3A_206 : memref<128xi32, #tpu.memory_space<hbm>>) dst(%arg6 : memref<128xi32, #tpu.memory_space<vmem>>)
      tpu.yield
    }) : () -> ()
    %dma_start3A_114 = arith.constant 0 : i32
    %dma_start3A_115 = arith.constant 0 : i32
    %dma_start3A_116 = tpu.memref_slice %arg2[%dma_start3A_114, %dma_start3A_115] : memref<1000000x128xf32, #tpu.memory_space<hbm>> -> memref<1000000x128xf32, #tpu.memory_space<hbm>>
    tpu.enqueue_indirect_dma source(%dma_start3A_116 : memref<1000000x128xf32, #tpu.memory_space<hbm>>) target(%arg10 : memref<128x128xf32, #tpu.memory_space<vmem>>) offsets(%arg6 : memref<128xi32, #tpu.memory_space<vmem>>) semaphore(%arg14 : memref<!tpu.dma_semaphore, #tpu.memory_space<semaphore_mem>>)
    %dma_wait3A_117 = arith.constant 0 : i32
    %dma_wait3A_118 = arith.constant 0 : i32
    %dma_wait3A_119 = tpu.memref_slice %arg3[%dma_wait3A_117, %dma_wait3A_118] : memref<100000x128xf32, #tpu.memory_space<hbm>> -> memref<100000x128xf32, #tpu.memory_space<hbm>>
    tpu.wait_indirect_dma semaphore(%arg15 : memref<!tpu.dma_semaphore, #tpu.memory_space<semaphore_mem>>) src(%dma_wait3A_119 : memref<100000x128xf32, #tpu.memory_space<hbm>>) dst(%arg11 : memref<128x128xf32, #tpu.memory_space<vmem>>)
    %dma_start3A_120 = arith.constant 0 : i32
    %dma_start3A_121 = tpu.memref_slice %arg5[%add3A_20, %dma_start3A_120] : memref<49152x128xf32, #tpu.memory_space<hbm>> -> memref<128x128xf32, #tpu.memory_space<hbm>>
    %dma_start3A_122 = arith.constant 0 : i32
    %dma_start3A_123 = tpu.memref_slice %arg5[%add3A_20, %dma_start3A_122] : memref<49152x128xf32, #tpu.memory_space<hbm>> -> memref<128x128xf32, #tpu.memory_space<hbm>>
    tpu.enqueue_dma source(%arg11 : memref<128x128xf32, #tpu.memory_space<vmem>>) target(%dma_start3A_123 : memref<128x128xf32, #tpu.memory_space<hbm>>) target_semaphore(%arg19 : memref<!tpu.dma_semaphore, #tpu.memory_space<semaphore_mem>>)
    %dma_wait3A_124 = arith.constant 0 : i32
    %dma_wait3A_125 = tpu.memref_slice %arg5[%add3A_20, %dma_wait3A_124] : memref<49152x128xf32, #tpu.memory_space<hbm>> -> memref<128x128xf32, #tpu.memory_space<hbm>>
    %dma_wait3A_126 = arith.constant 0 : i32
    %dma_wait3A_127 = tpu.memref_slice %arg5[%add3A_20, %dma_wait3A_126] : memref<49152x128xf32, #tpu.memory_space<hbm>> -> memref<128x128xf32, #tpu.memory_space<hbm>>
    tpu.wait_dma2 semaphore(%arg19 : memref<!tpu.dma_semaphore, #tpu.memory_space<semaphore_mem>>) src(%arg11 : memref<128x128xf32, #tpu.memory_space<vmem>>) dst(%dma_wait3A_127 : memref<128x128xf32, #tpu.memory_space<hbm>>)
    "tpu.region"() ({
      %run_scoped3A = tpu.sem_alloc : memref<!tpu.dma_semaphore, #tpu.memory_space<semaphore_mem>>
      %dma_start3A_203 = tpu.memref_slice %arg4[%add3A_32] : memref<49152xi32, #tpu.memory_space<hbm>> -> memref<128xi32, #tpu.memory_space<hbm>>
      %dma_start3A_204 = tpu.memref_slice %arg4[%add3A_32] : memref<49152xi32, #tpu.memory_space<hbm>> -> memref<128xi32, #tpu.memory_space<hbm>>
      tpu.enqueue_dma source(%dma_start3A_204 : memref<128xi32, #tpu.memory_space<hbm>>) target(%arg7 : memref<128xi32, #tpu.memory_space<vmem>>) target_semaphore(%run_scoped3A : memref<!tpu.dma_semaphore, #tpu.memory_space<semaphore_mem>>)
      %dma_wait3A_205 = tpu.memref_slice %arg4[%add3A_32] : memref<49152xi32, #tpu.memory_space<hbm>> -> memref<128xi32, #tpu.memory_space<hbm>>
      %dma_wait3A_206 = tpu.memref_slice %arg4[%add3A_32] : memref<49152xi32, #tpu.memory_space<hbm>> -> memref<128xi32, #tpu.memory_space<hbm>>
      tpu.wait_dma2 semaphore(%run_scoped3A : memref<!tpu.dma_semaphore, #tpu.memory_space<semaphore_mem>>) src(%dma_wait3A_206 : memref<128xi32, #tpu.memory_space<hbm>>) dst(%arg7 : memref<128xi32, #tpu.memory_space<vmem>>)
      tpu.yield
    }) : () -> ()
    %dma_start3A_128 = arith.constant 0 : i32
    %dma_start3A_129 = arith.constant 0 : i32
    %dma_start3A_130 = tpu.memref_slice %arg2[%dma_start3A_128, %dma_start3A_129] : memref<1000000x128xf32, #tpu.memory_space<hbm>> -> memref<1000000x128xf32, #tpu.memory_space<hbm>>
    tpu.enqueue_indirect_dma source(%dma_start3A_130 : memref<1000000x128xf32, #tpu.memory_space<hbm>>) target(%arg11 : memref<128x128xf32, #tpu.memory_space<vmem>>) offsets(%arg7 : memref<128xi32, #tpu.memory_space<vmem>>) semaphore(%arg15 : memref<!tpu.dma_semaphore, #tpu.memory_space<semaphore_mem>>)
    %dma_wait3A_131 = arith.constant 0 : i32
    %dma_wait3A_132 = arith.constant 0 : i32
    %dma_wait3A_133 = tpu.memref_slice %arg3[%dma_wait3A_131, %dma_wait3A_132] : memref<100000x128xf32, #tpu.memory_space<hbm>> -> memref<100000x128xf32, #tpu.memory_space<hbm>>
    tpu.wait_indirect_dma semaphore(%arg16 : memref<!tpu.dma_semaphore, #tpu.memory_space<semaphore_mem>>) src(%dma_wait3A_133 : memref<100000x128xf32, #tpu.memory_space<hbm>>) dst(%arg12 : memref<128x128xf32, #tpu.memory_space<vmem>>)
    %dma_start3A_134 = arith.constant 0 : i32
    %dma_start3A_135 = tpu.memref_slice %arg5[%add3A_22, %dma_start3A_134] : memref<49152x128xf32, #tpu.memory_space<hbm>> -> memref<128x128xf32, #tpu.memory_space<hbm>>
    %dma_start3A_136 = arith.constant 0 : i32
    %dma_start3A_137 = tpu.memref_slice %arg5[%add3A_22, %dma_start3A_136] : memref<49152x128xf32, #tpu.memory_space<hbm>> -> memref<128x128xf32, #tpu.memory_space<hbm>>
    tpu.enqueue_dma source(%arg12 : memref<128x128xf32, #tpu.memory_space<vmem>>) target(%dma_start3A_137 : memref<128x128xf32, #tpu.memory_space<hbm>>) target_semaphore(%arg20 : memref<!tpu.dma_semaphore, #tpu.memory_space<semaphore_mem>>)
    %dma_wait3A_138 = arith.constant 0 : i32
    %dma_wait3A_139 = tpu.memref_slice %arg5[%add3A_22, %dma_wait3A_138] : memref<49152x128xf32, #tpu.memory_space<hbm>> -> memref<128x128xf32, #tpu.memory_space<hbm>>
    %dma_wait3A_140 = arith.constant 0 : i32
    %dma_wait3A_141 = tpu.memref_slice %arg5[%add3A_22, %dma_wait3A_140] : memref<49152x128xf32, #tpu.memory_space<hbm>> -> memref<128x128xf32, #tpu.memory_space<hbm>>
    tpu.wait_dma2 semaphore(%arg20 : memref<!tpu.dma_semaphore, #tpu.memory_space<semaphore_mem>>) src(%arg12 : memref<128x128xf32, #tpu.memory_space<vmem>>) dst(%dma_wait3A_141 : memref<128x128xf32, #tpu.memory_space<hbm>>)
    "tpu.region"() ({
      %run_scoped3A = tpu.sem_alloc : memref<!tpu.dma_semaphore, #tpu.memory_space<semaphore_mem>>
      %dma_start3A_203 = tpu.memref_slice %arg4[%add3A_34] : memref<49152xi32, #tpu.memory_space<hbm>> -> memref<128xi32, #tpu.memory_space<hbm>>
      %dma_start3A_204 = tpu.memref_slice %arg4[%add3A_34] : memref<49152xi32, #tpu.memory_space<hbm>> -> memref<128xi32, #tpu.memory_space<hbm>>
      tpu.enqueue_dma source(%dma_start3A_204 : memref<128xi32, #tpu.memory_space<hbm>>) target(%arg8 : memref<128xi32, #tpu.memory_space<vmem>>) target_semaphore(%run_scoped3A : memref<!tpu.dma_semaphore, #tpu.memory_space<semaphore_mem>>)
      %dma_wait3A_205 = tpu.memref_slice %arg4[%add3A_34] : memref<49152xi32, #tpu.memory_space<hbm>> -> memref<128xi32, #tpu.memory_space<hbm>>
      %dma_wait3A_206 = tpu.memref_slice %arg4[%add3A_34] : memref<49152xi32, #tpu.memory_space<hbm>> -> memref<128xi32, #tpu.memory_space<hbm>>
      tpu.wait_dma2 semaphore(%run_scoped3A : memref<!tpu.dma_semaphore, #tpu.memory_space<semaphore_mem>>) src(%dma_wait3A_206 : memref<128xi32, #tpu.memory_space<hbm>>) dst(%arg8 : memref<128xi32, #tpu.memory_space<vmem>>)
      tpu.yield
    }) : () -> ()
    %dma_start3A_142 = arith.constant 0 : i32
    %dma_start3A_143 = arith.constant 0 : i32
    %dma_start3A_144 = tpu.memref_slice %arg2[%dma_start3A_142, %dma_start3A_143] : memref<1000000x128xf32, #tpu.memory_space<hbm>> -> memref<1000000x128xf32, #tpu.memory_space<hbm>>
    tpu.enqueue_indirect_dma source(%dma_start3A_144 : memref<1000000x128xf32, #tpu.memory_space<hbm>>) target(%arg12 : memref<128x128xf32, #tpu.memory_space<vmem>>) offsets(%arg8 : memref<128xi32, #tpu.memory_space<vmem>>) semaphore(%arg16 : memref<!tpu.dma_semaphore, #tpu.memory_space<semaphore_mem>>)
    %dma_wait3A_145 = arith.constant 0 : i32
    %dma_wait3A_146 = arith.constant 0 : i32
    %dma_wait3A_147 = tpu.memref_slice %arg3[%dma_wait3A_145, %dma_wait3A_146] : memref<100000x128xf32, #tpu.memory_space<hbm>> -> memref<100000x128xf32, #tpu.memory_space<hbm>>
    tpu.wait_indirect_dma semaphore(%arg17 : memref<!tpu.dma_semaphore, #tpu.memory_space<semaphore_mem>>) src(%dma_wait3A_147 : memref<100000x128xf32, #tpu.memory_space<hbm>>) dst(%arg13 : memref<128x128xf32, #tpu.memory_space<vmem>>)
    %dma_start3A_148 = arith.constant 0 : i32
    %dma_start3A_149 = tpu.memref_slice %arg5[%add3A_24, %dma_start3A_148] : memref<49152x128xf32, #tpu.memory_space<hbm>> -> memref<128x128xf32, #tpu.memory_space<hbm>>
    %dma_start3A_150 = arith.constant 0 : i32
    %dma_start3A_151 = tpu.memref_slice %arg5[%add3A_24, %dma_start3A_150] : memref<49152x128xf32, #tpu.memory_space<hbm>> -> memref<128x128xf32, #tpu.memory_space<hbm>>
    tpu.enqueue_dma source(%arg13 : memref<128x128xf32, #tpu.memory_space<vmem>>) target(%dma_start3A_151 : memref<128x128xf32, #tpu.memory_space<hbm>>) target_semaphore(%arg21 : memref<!tpu.dma_semaphore, #tpu.memory_space<semaphore_mem>>)
    %dma_wait3A_152 = arith.constant 0 : i32
    %dma_wait3A_153 = tpu.memref_slice %arg5[%add3A_24, %dma_wait3A_152] : memref<49152x128xf32, #tpu.memory_space<hbm>> -> memref<128x128xf32, #tpu.memory_space<hbm>>
    %dma_wait3A_154 = arith.constant 0 : i32
    %dma_wait3A_155 = tpu.memref_slice %arg5[%add3A_24, %dma_wait3A_154] : memref<49152x128xf32, #tpu.memory_space<hbm>> -> memref<128x128xf32, #tpu.memory_space<hbm>>
    tpu.wait_dma2 semaphore(%arg21 : memref<!tpu.dma_semaphore, #tpu.memory_space<semaphore_mem>>) src(%arg13 : memref<128x128xf32, #tpu.memory_space<vmem>>) dst(%dma_wait3A_155 : memref<128x128xf32, #tpu.memory_space<hbm>>)
    "tpu.region"() ({
      %run_scoped3A = tpu.sem_alloc : memref<!tpu.dma_semaphore, #tpu.memory_space<semaphore_mem>>
      %dma_start3A_203 = tpu.memref_slice %arg4[%add3A_36] : memref<49152xi32, #tpu.memory_space<hbm>> -> memref<128xi32, #tpu.memory_space<hbm>>
      %dma_start3A_204 = tpu.memref_slice %arg4[%add3A_36] : memref<49152xi32, #tpu.memory_space<hbm>> -> memref<128xi32, #tpu.memory_space<hbm>>
      tpu.enqueue_dma source(%dma_start3A_204 : memref<128xi32, #tpu.memory_space<hbm>>) target(%arg9 : memref<128xi32, #tpu.memory_space<vmem>>) target_semaphore(%run_scoped3A : memref<!tpu.dma_semaphore, #tpu.memory_space<semaphore_mem>>)
      %dma_wait3A_205 = tpu.memref_slice %arg4[%add3A_36] : memref<49152xi32, #tpu.memory_space<hbm>> -> memref<128xi32, #tpu.memory_space<hbm>>
      %dma_wait3A_206 = tpu.memref_slice %arg4[%add3A_36] : memref<49152xi32, #tpu.memory_space<hbm>> -> memref<128xi32, #tpu.memory_space<hbm>>
      tpu.wait_dma2 semaphore(%run_scoped3A : memref<!tpu.dma_semaphore, #tpu.memory_space<semaphore_mem>>) src(%dma_wait3A_206 : memref<128xi32, #tpu.memory_space<hbm>>) dst(%arg9 : memref<128xi32, #tpu.memory_space<vmem>>)
      tpu.yield
    }) : () -> ()
    %dma_start3A_156 = arith.constant 0 : i32
    %dma_start3A_157 = arith.constant 0 : i32
    %dma_start3A_158 = tpu.memref_slice %arg2[%dma_start3A_156, %dma_start3A_157] : memref<1000000x128xf32, #tpu.memory_space<hbm>> -> memref<1000000x128xf32, #tpu.memory_space<hbm>>
    tpu.enqueue_indirect_dma source(%dma_start3A_158 : memref<1000000x128xf32, #tpu.memory_space<hbm>>) target(%arg13 : memref<128x128xf32, #tpu.memory_space<vmem>>) offsets(%arg9 : memref<128xi32, #tpu.memory_space<vmem>>) semaphore(%arg17 : memref<!tpu.dma_semaphore, #tpu.memory_space<semaphore_mem>>)
    %dma_wait3A_159 = arith.constant 0 : i32
    %dma_wait3A_160 = arith.constant 0 : i32
    %dma_wait3A_161 = tpu.memref_slice %arg2[%dma_wait3A_159, %dma_wait3A_160] : memref<1000000x128xf32, #tpu.memory_space<hbm>> -> memref<1000000x128xf32, #tpu.memory_space<hbm>>
    tpu.wait_indirect_dma semaphore(%arg14 : memref<!tpu.dma_semaphore, #tpu.memory_space<semaphore_mem>>) src(%dma_wait3A_161 : memref<1000000x128xf32, #tpu.memory_space<hbm>>) dst(%arg10 : memref<128x128xf32, #tpu.memory_space<vmem>>)
    %dma_start3A_162 = arith.constant 0 : i32
    %dma_start3A_163 = tpu.memref_slice %arg5[%add3A_30, %dma_start3A_162] : memref<49152x128xf32, #tpu.memory_space<hbm>> -> memref<128x128xf32, #tpu.memory_space<hbm>>
    %dma_start3A_164 = arith.constant 0 : i32
    %dma_start3A_165 = tpu.memref_slice %arg5[%add3A_30, %dma_start3A_164] : memref<49152x128xf32, #tpu.memory_space<hbm>> -> memref<128x128xf32, #tpu.memory_space<hbm>>
    tpu.enqueue_dma source(%arg10 : memref<128x128xf32, #tpu.memory_space<vmem>>) target(%dma_start3A_165 : memref<128x128xf32, #tpu.memory_space<hbm>>) target_semaphore(%arg18 : memref<!tpu.dma_semaphore, #tpu.memory_space<semaphore_mem>>)
    %dma_wait3A_166 = arith.constant 0 : i32
    %dma_wait3A_167 = arith.constant 0 : i32
    %dma_wait3A_168 = tpu.memref_slice %arg2[%dma_wait3A_166, %dma_wait3A_167] : memref<1000000x128xf32, #tpu.memory_space<hbm>> -> memref<1000000x128xf32, #tpu.memory_space<hbm>>
    tpu.wait_indirect_dma semaphore(%arg15 : memref<!tpu.dma_semaphore, #tpu.memory_space<semaphore_mem>>) src(%dma_wait3A_168 : memref<1000000x128xf32, #tpu.memory_space<hbm>>) dst(%arg11 : memref<128x128xf32, #tpu.memory_space<vmem>>)
    %dma_start3A_169 = arith.constant 0 : i32
    %dma_start3A_170 = tpu.memref_slice %arg5[%add3A_32, %dma_start3A_169] : memref<49152x128xf32, #tpu.memory_space<hbm>> -> memref<128x128xf32, #tpu.memory_space<hbm>>
    %dma_start3A_171 = arith.constant 0 : i32
    %dma_start3A_172 = tpu.memref_slice %arg5[%add3A_32, %dma_start3A_171] : memref<49152x128xf32, #tpu.memory_space<hbm>> -> memref<128x128xf32, #tpu.memory_space<hbm>>
    tpu.enqueue_dma source(%arg11 : memref<128x128xf32, #tpu.memory_space<vmem>>) target(%dma_start3A_172 : memref<128x128xf32, #tpu.memory_space<hbm>>) target_semaphore(%arg19 : memref<!tpu.dma_semaphore, #tpu.memory_space<semaphore_mem>>)
    %dma_wait3A_173 = arith.constant 0 : i32
    %dma_wait3A_174 = arith.constant 0 : i32
    %dma_wait3A_175 = tpu.memref_slice %arg2[%dma_wait3A_173, %dma_wait3A_174] : memref<1000000x128xf32, #tpu.memory_space<hbm>> -> memref<1000000x128xf32, #tpu.memory_space<hbm>>
    tpu.wait_indirect_dma semaphore(%arg16 : memref<!tpu.dma_semaphore, #tpu.memory_space<semaphore_mem>>) src(%dma_wait3A_175 : memref<1000000x128xf32, #tpu.memory_space<hbm>>) dst(%arg12 : memref<128x128xf32, #tpu.memory_space<vmem>>)
    %dma_start3A_176 = arith.constant 0 : i32
    %dma_start3A_177 = tpu.memref_slice %arg5[%add3A_34, %dma_start3A_176] : memref<49152x128xf32, #tpu.memory_space<hbm>> -> memref<128x128xf32, #tpu.memory_space<hbm>>
    %dma_start3A_178 = arith.constant 0 : i32
    %dma_start3A_179 = tpu.memref_slice %arg5[%add3A_34, %dma_start3A_178] : memref<49152x128xf32, #tpu.memory_space<hbm>> -> memref<128x128xf32, #tpu.memory_space<hbm>>
    tpu.enqueue_dma source(%arg12 : memref<128x128xf32, #tpu.memory_space<vmem>>) target(%dma_start3A_179 : memref<128x128xf32, #tpu.memory_space<hbm>>) target_semaphore(%arg20 : memref<!tpu.dma_semaphore, #tpu.memory_space<semaphore_mem>>)
    %dma_wait3A_180 = arith.constant 0 : i32
    %dma_wait3A_181 = arith.constant 0 : i32
    %dma_wait3A_182 = tpu.memref_slice %arg2[%dma_wait3A_180, %dma_wait3A_181] : memref<1000000x128xf32, #tpu.memory_space<hbm>> -> memref<1000000x128xf32, #tpu.memory_space<hbm>>
    tpu.wait_indirect_dma semaphore(%arg17 : memref<!tpu.dma_semaphore, #tpu.memory_space<semaphore_mem>>) src(%dma_wait3A_182 : memref<1000000x128xf32, #tpu.memory_space<hbm>>) dst(%arg13 : memref<128x128xf32, #tpu.memory_space<vmem>>)
    %dma_start3A_183 = arith.constant 0 : i32
    %dma_start3A_184 = tpu.memref_slice %arg5[%add3A_36, %dma_start3A_183] : memref<49152x128xf32, #tpu.memory_space<hbm>> -> memref<128x128xf32, #tpu.memory_space<hbm>>
    %dma_start3A_185 = arith.constant 0 : i32
    %dma_start3A_186 = tpu.memref_slice %arg5[%add3A_36, %dma_start3A_185] : memref<49152x128xf32, #tpu.memory_space<hbm>> -> memref<128x128xf32, #tpu.memory_space<hbm>>
    tpu.enqueue_dma source(%arg13 : memref<128x128xf32, #tpu.memory_space<vmem>>) target(%dma_start3A_186 : memref<128x128xf32, #tpu.memory_space<hbm>>) target_semaphore(%arg21 : memref<!tpu.dma_semaphore, #tpu.memory_space<semaphore_mem>>)
    %dma_wait3A_187 = arith.constant 0 : i32
    %dma_wait3A_188 = tpu.memref_slice %arg5[%add3A_30, %dma_wait3A_187] : memref<49152x128xf32, #tpu.memory_space<hbm>> -> memref<128x128xf32, #tpu.memory_space<hbm>>
    %dma_wait3A_189 = arith.constant 0 : i32
    %dma_wait3A_190 = tpu.memref_slice %arg5[%add3A_30, %dma_wait3A_189] : memref<49152x128xf32, #tpu.memory_space<hbm>> -> memref<128x128xf32, #tpu.memory_space<hbm>>
    tpu.wait_dma2 semaphore(%arg18 : memref<!tpu.dma_semaphore, #tpu.memory_space<semaphore_mem>>) src(%arg10 : memref<128x128xf32, #tpu.memory_space<vmem>>) dst(%dma_wait3A_190 : memref<128x128xf32, #tpu.memory_space<hbm>>)
    %dma_wait3A_191 = arith.constant 0 : i32
    %dma_wait3A_192 = tpu.memref_slice %arg5[%add3A_32, %dma_wait3A_191] : memref<49152x128xf32, #tpu.memory_space<hbm>> -> memref<128x128xf32, #tpu.memory_space<hbm>>
    %dma_wait3A_193 = arith.constant 0 : i32
    %dma_wait3A_194 = tpu.memref_slice %arg5[%add3A_32, %dma_wait3A_193] : memref<49152x128xf32, #tpu.memory_space<hbm>> -> memref<128x128xf32, #tpu.memory_space<hbm>>
    tpu.wait_dma2 semaphore(%arg19 : memref<!tpu.dma_semaphore, #tpu.memory_space<semaphore_mem>>) src(%arg11 : memref<128x128xf32, #tpu.memory_space<vmem>>) dst(%dma_wait3A_194 : memref<128x128xf32, #tpu.memory_space<hbm>>)
    %dma_wait3A_195 = arith.constant 0 : i32
    %dma_wait3A_196 = tpu.memref_slice %arg5[%add3A_34, %dma_wait3A_195] : memref<49152x128xf32, #tpu.memory_space<hbm>> -> memref<128x128xf32, #tpu.memory_space<hbm>>
    %dma_wait3A_197 = arith.constant 0 : i32
    %dma_wait3A_198 = tpu.memref_slice %arg5[%add3A_34, %dma_wait3A_197] : memref<49152x128xf32, #tpu.memory_space<hbm>> -> memref<128x128xf32, #tpu.memory_space<hbm>>
    tpu.wait_dma2 semaphore(%arg20 : memref<!tpu.dma_semaphore, #tpu.memory_space<semaphore_mem>>) src(%arg12 : memref<128x128xf32, #tpu.memory_space<vmem>>) dst(%dma_wait3A_198 : memref<128x128xf32, #tpu.memory_space<hbm>>)
    %dma_wait3A_199 = arith.constant 0 : i32
    %dma_wait3A_200 = tpu.memref_slice %arg5[%add3A_36, %dma_wait3A_199] : memref<49152x128xf32, #tpu.memory_space<hbm>> -> memref<128x128xf32, #tpu.memory_space<hbm>>
    %dma_wait3A_201 = arith.constant 0 : i32
    %dma_wait3A_202 = tpu.memref_slice %arg5[%add3A_36, %dma_wait3A_201] : memref<49152x128xf32, #tpu.memory_space<hbm>> -> memref<128x128xf32, #tpu.memory_space<hbm>>
    tpu.wait_dma2 semaphore(%arg21 : memref<!tpu.dma_semaphore, #tpu.memory_space<semaphore_mem>>) src(%arg13 : memref<128x128xf32, #tpu.memory_space<vmem>>) dst(%dma_wait3A_202 : memref<128x128xf32, #tpu.memory_space<hbm>>)
    return
  }
}

module attributes {stable_mosaic.version = 14 : i64} {
  func.func @_attn_body(%arg0: i32, %arg1: memref<1x8192x128xf32, #tpu.memory_space<vmem>>, %arg2: memref<1x8192x128xf32, #tpu.memory_space<vmem>>, %arg3: memref<1x8192x128xf32, #tpu.memory_space<vmem>>, %arg4: memref<128x384xf32, #tpu.memory_space<vmem>>, %arg5: memref<1x128xf32, #tpu.memory_space<vmem>>, %arg6: memref<128x128xf32, #tpu.memory_space<vmem>>, %arg7: memref<1x128xf32, #tpu.memory_space<vmem>>, %arg8: memref<1x128xf32, #tpu.memory_space<vmem>>, %arg9: memref<1x1xf32, #tpu.memory_space<smem>>, %arg10: memref<1x1xf32, #tpu.memory_space<smem>>, %arg11: memref<1x128xf32, #tpu.memory_space<vmem>>) attributes {dimension_semantics = [#tpu.dimension_semantics<arbitrary>], iteration_bounds = array<i64: 2>, scalar_prefetch = 0 : i64, scratch_operands = 3 : i64, tpu.core_type = #tpu.core_type<tc>, window_params = [{transform_indices = @transform_0, window_bounds = array<i64: 1, 8192, 128>}, {transform_indices = @transform_1, window_bounds = array<i64: 1, 8192, 128>}, {transform_indices = @transform_2, window_bounds = array<i64: 1, 8192, 128>}, {pipeline_mode = #tpu.pipeline_mode<synchronous>, transform_indices = @transform_3, window_bounds = array<i64: 128, 384>}, {pipeline_mode = #tpu.pipeline_mode<synchronous>, transform_indices = @transform_4, window_bounds = array<i64: 1, 128>}, {pipeline_mode = #tpu.pipeline_mode<synchronous>, transform_indices = @transform_5, window_bounds = array<i64: 128, 128>}, {pipeline_mode = #tpu.pipeline_mode<synchronous>, transform_indices = @transform_6, window_bounds = array<i64: 1, 128>}, {pipeline_mode = #tpu.pipeline_mode<synchronous>, transform_indices = @transform_7, window_bounds = array<i64: 1, 128>}]} {
    %eq3A = arith.constant 0 : i32
    %eq3A_0 = arith.cmpi eq, %arg0, %eq3A : i32
    %convert_element_type3A = arith.extui %eq3A_0 : i1 to i32
    %cond3A = arith.constant 0 : i32
    %cond3A_1 = arith.cmpi ne, %convert_element_type3A, %cond3A : i32
    scf.if %cond3A_1 {
      %swap3A_75 = arith.constant -1.000000e+30 : f32
      %swap3A_76 = arith.constant 0 : index
      %swap3A_77 = arith.constant 0 : index
      %swap3A_78 = memref.load %arg9[%swap3A_76, %swap3A_77] : memref<1x1xf32, #tpu.memory_space<smem>>
      memref.store %swap3A_75, %arg9[%swap3A_76, %swap3A_77] : memref<1x1xf32, #tpu.memory_space<smem>>
      %swap3A_79 = arith.constant 0.000000e+00 : f32
      %swap3A_80 = arith.constant 0 : index
      %swap3A_81 = arith.constant 0 : index
      %swap3A_82 = memref.load %arg10[%swap3A_80, %swap3A_81] : memref<1x1xf32, #tpu.memory_space<smem>>
      memref.store %swap3A_79, %arg10[%swap3A_80, %swap3A_81] : memref<1x1xf32, #tpu.memory_space<smem>>
      %broadcast_in_dim3A = arith.constant 0.000000e+00 : f32
      %broadcast_in_dim3A_83 = vector.broadcast %broadcast_in_dim3A : f32 to vector<1x128xf32>
      %swap3A_84 = arith.constant 0 : index
      %swap3A_85 = arith.constant 0 : index
      %swap3A_86 = vector.load %arg11[%swap3A_84, %swap3A_85] : memref<1x128xf32, #tpu.memory_space<vmem>>, vector<1x128xf32>
      tpu.vector_store %arg11[%swap3A_84, %swap3A_85], %broadcast_in_dim3A_83 {strides = array<i32>} : memref<1x128xf32, #tpu.memory_space<vmem>>, vector<1x128xf32>,
    } else {
    }
    %get3A = arith.constant 0 : index
    %get3A_2 = arith.constant 0 : index
    %get3A_3 = vector.load %arg4[%get3A, %get3A_2] : memref<128x384xf32, #tpu.memory_space<vmem>>, vector<128x128xf32>
    %get3A_4 = arith.constant 0 : index
    %get3A_5 = arith.constant 0 : index
    %get3A_6 = arith.constant 0 : index
    %get3A_7 = vector.load %arg1[%get3A_4, %get3A_5, %get3A_6] : memref<1x8192x128xf32, #tpu.memory_space<vmem>>, vector<1x8192x128xf32>
    %get3A_8 = vector.shape_cast %get3A_7 : vector<1x8192x128xf32> to vector<8192x128xf32>
    %dot_general3A = arith.constant dense<0.000000e+00> : vector<8192x128xf32>
    %dot_general3A_9 = tpu.matmul %get3A_8, %get3A_3, %dot_general3A {dimension_numbers = #tpu.dot_dimension_numbers<[1], [1], [0], [0], [0, 0, 1, 0], [], []>, transpose_lhs_hint = false} : vector<8192x128xf32>, vector<128x128xf32>, vector<8192x128xf32> -> vector<8192x128xf32>
    %get3A_10 = arith.constant 0 : index
    %get3A_11 = arith.constant 128 : index
    %get3A_12 = vector.load %arg4[%get3A_10, %get3A_11] : memref<128x384xf32, #tpu.memory_space<vmem>>, vector<128x128xf32>
    %get3A_13 = arith.constant 0 : index
    %get3A_14 = arith.constant 0 : index
    %get3A_15 = arith.constant 0 : index
    %get3A_16 = vector.load %arg2[%get3A_13, %get3A_14, %get3A_15] : memref<1x8192x128xf32, #tpu.memory_space<vmem>>, vector<1x8192x128xf32>
    %get3A_17 = vector.shape_cast %get3A_16 : vector<1x8192x128xf32> to vector<8192x128xf32>
    %dot_general3A_18 = arith.constant dense<0.000000e+00> : vector<8192x128xf32>
    %dot_general3A_19 = tpu.matmul %get3A_17, %get3A_12, %dot_general3A_18 {dimension_numbers = #tpu.dot_dimension_numbers<[1], [1], [0], [0], [0, 0, 1, 0], [], []>, transpose_lhs_hint = false} : vector<8192x128xf32>, vector<128x128xf32>, vector<8192x128xf32> -> vector<8192x128xf32>
    %add3A = arith.addf %dot_general3A_9, %dot_general3A_19 : vector<8192x128xf32>
    %get3A_20 = arith.constant 0 : index
    %get3A_21 = arith.constant 256 : index
    %get3A_22 = vector.load %arg4[%get3A_20, %get3A_21] : memref<128x384xf32, #tpu.memory_space<vmem>>, vector<128x128xf32>
    %get3A_23 = arith.constant 0 : index
    %get3A_24 = arith.constant 0 : index
    %get3A_25 = arith.constant 0 : index
    %get3A_26 = vector.load %arg3[%get3A_23, %get3A_24, %get3A_25] : memref<1x8192x128xf32, #tpu.memory_space<vmem>>, vector<1x8192x128xf32>
    %get3A_27 = vector.shape_cast %get3A_26 : vector<1x8192x128xf32> to vector<8192x128xf32>
    %dot_general3A_28 = arith.constant dense<0.000000e+00> : vector<8192x128xf32>
    %dot_general3A_29 = tpu.matmul %get3A_27, %get3A_22, %dot_general3A_28 {dimension_numbers = #tpu.dot_dimension_numbers<[1], [1], [0], [0], [0, 0, 1, 0], [], []>, transpose_lhs_hint = false} : vector<8192x128xf32>, vector<128x128xf32>, vector<8192x128xf32> -> vector<8192x128xf32>
    %add3A_30 = arith.addf %add3A, %dot_general3A_29 : vector<8192x128xf32>
    %tanh3A = math.tanh %add3A_30 : vector<8192x128xf32>
    %get3A_31 = arith.constant 0 : index
    %get3A_32 = arith.constant 0 : index
    %get3A_33 = vector.load %arg5[%get3A_31, %get3A_32] : memref<1x128xf32, #tpu.memory_space<vmem>>, vector<1x128xf32>
    %dot_general3A_34 = arith.constant dense<0.000000e+00> : vector<8192x1xf32>
    %dot_general3A_35 = tpu.matmul %tanh3A, %get3A_33, %dot_general3A_34 {dimension_numbers = #tpu.dot_dimension_numbers<[1], [1], [0], [0], [0, 0, 1, 0], [], []>, transpose_lhs_hint = false} : vector<8192x128xf32>, vector<1x128xf32>, vector<8192x1xf32> -> vector<8192x1xf32>
    %get3A_36 = arith.constant 0 : index
    %get3A_37 = arith.constant 0 : index
    %get3A_38 = memref.load %arg9[%get3A_36, %get3A_37] : memref<1x1xf32, #tpu.memory_space<smem>>
    %reduce_max3A = vector.shape_cast %dot_general3A_35 : vector<8192x1xf32> to vector<1x8192x1xf32>
    %reduce_max3A_39 = arith.constant dense<0xFF800000> : vector<1xf32>
    %reduce_max3A_40 = vector.multi_reduction <maximumf>, %reduce_max3A, %reduce_max3A_39 [1, 2] : vector<1x8192x1xf32> to vector<1xf32>
    %reduce_max3A_41 = vector.shape_cast %reduce_max3A_40 : vector<1xf32> to vector<1x1x1xf32>
    %reduce_max3A_42 = vector.extract %reduce_max3A_41[0, 0, 0] : f32 from vector<1x1x1xf32>
    %max3A = arith.maximumf %get3A_38, %reduce_max3A_42 : f32
    %sub3A = arith.subf %get3A_38, %max3A : f32
    %exp3A = math.exp %sub3A : f32
    %sub3A_43 = vector.broadcast %max3A : f32 to vector<8192x1xf32>
    %sub3A_44 = arith.subf %dot_general3A_35, %sub3A_43 : vector<8192x1xf32>
    %exp3A_45 = math.exp %sub3A_44 : vector<8192x1xf32>
    %get3A_46 = arith.constant 0 : index
    %get3A_47 = arith.constant 0 : index
    %get3A_48 = memref.load %arg10[%get3A_46, %get3A_47] : memref<1x1xf32, #tpu.memory_space<smem>>
    %mul3A = arith.mulf %get3A_48, %exp3A : f32
    %reduce_sum3A = vector.shape_cast %exp3A_45 : vector<8192x1xf32> to vector<1x8192x1xf32>
    %reduce_sum3A_49 = arith.constant dense<0.000000e+00> : vector<1xf32>
    %reduce_sum3A_50 = vector.multi_reduction <add>, %reduce_sum3A, %reduce_sum3A_49 [1, 2] : vector<1x8192x1xf32> to vector<1xf32>
    %reduce_sum3A_51 = vector.shape_cast %reduce_sum3A_50 : vector<1xf32> to vector<1x1x1xf32>
    %reduce_sum3A_52 = vector.extract %reduce_sum3A_51[0, 0, 0] : f32 from vector<1x1x1xf32>
    %add3A_53 = arith.addf %mul3A, %reduce_sum3A_52 : f32
    %swap3A = arith.constant 0 : index
    %swap3A_54 = arith.constant 0 : index
    %swap3A_55 = memref.load %arg10[%swap3A, %swap3A_54] : memref<1x1xf32, #tpu.memory_space<smem>>
    memref.store %add3A_53, %arg10[%swap3A, %swap3A_54] : memref<1x1xf32, #tpu.memory_space<smem>>
    %dot_general3A_56 = arith.constant dense<0.000000e+00> : vector<1x128xf32>
    %dot_general3A_57 = tpu.matmul %exp3A_45, %tanh3A, %dot_general3A_56 {dimension_numbers = #tpu.dot_dimension_numbers<[0], [0], [1], [1], [0, 1, 1, 1], [], []>, transpose_lhs_hint = false} : vector<8192x1xf32>, vector<8192x128xf32>, vector<1x128xf32> -> vector<1x128xf32>
    %get3A_58 = arith.constant 0 : index
    %get3A_59 = arith.constant 0 : index
    %get3A_60 = vector.load %arg11[%get3A_58, %get3A_59] : memref<1x128xf32, #tpu.memory_space<vmem>>, vector<1x128xf32>
    %mul3A_61 = vector.broadcast %exp3A : f32 to vector<1x128xf32>
    %mul3A_62 = arith.mulf %get3A_60, %mul3A_61 : vector<1x128xf32>
    %add3A_63 = arith.addf %mul3A_62, %dot_general3A_57 : vector<1x128xf32>
    %swap3A_64 = arith.constant 0 : index
    %swap3A_65 = arith.constant 0 : index
    %swap3A_66 = vector.load %arg11[%swap3A_64, %swap3A_65] : memref<1x128xf32, #tpu.memory_space<vmem>>, vector<1x128xf32>
    tpu.vector_store %arg11[%swap3A_64, %swap3A_65], %add3A_63 {strides = array<i32>} : memref<1x128xf32, #tpu.memory_space<vmem>>, vector<1x128xf32>,
    %swap3A_67 = arith.constant 0 : index
    %swap3A_68 = arith.constant 0 : index
    %swap3A_69 = memref.load %arg9[%swap3A_67, %swap3A_68] : memref<1x1xf32, #tpu.memory_space<smem>>
    memref.store %max3A, %arg9[%swap3A_67, %swap3A_68] : memref<1x1xf32, #tpu.memory_space<smem>>
    %eq3A_70 = arith.constant 1 : i32
    %eq3A_71 = arith.cmpi eq, %arg0, %eq3A_70 : i32
    %convert_element_type3A_72 = arith.extui %eq3A_71 : i1 to i32
    %cond3A_73 = arith.constant 0 : i32
    %cond3A_74 = arith.cmpi ne, %convert_element_type3A_72, %cond3A_73 : i32
    scf.if %cond3A_74 {
      %get3A_75 = arith.constant 0 : index
      %get3A_76 = arith.constant 0 : index
      %get3A_77 = vector.load %arg11[%get3A_75, %get3A_76] : memref<1x128xf32, #tpu.memory_space<vmem>>, vector<1x128xf32>
      %get3A_78 = arith.constant 0 : index
      %get3A_79 = arith.constant 0 : index
      %get3A_80 = memref.load %arg10[%get3A_78, %get3A_79] : memref<1x1xf32, #tpu.memory_space<smem>>
      %div3A = vector.broadcast %get3A_80 : f32 to vector<1x128xf32>
      %div3A_81 = arith.divf %get3A_77, %div3A : vector<1x128xf32>
      %get3A_82 = arith.constant 0 : index
      %get3A_83 = arith.constant 0 : index
      %get3A_84 = vector.load %arg6[%get3A_82, %get3A_83] : memref<128x128xf32, #tpu.memory_space<vmem>>, vector<128x128xf32>
      %dot_general3A_85 = arith.constant dense<0.000000e+00> : vector<1x128xf32>
      %dot_general3A_86 = tpu.matmul %div3A_81, %get3A_84, %dot_general3A_85 {dimension_numbers = #tpu.dot_dimension_numbers<[1], [0], [0], [1], [0, 0, 1, 1], [], []>, transpose_lhs_hint = false} : vector<1x128xf32>, vector<128x128xf32>, vector<1x128xf32> -> vector<1x128xf32>
      %get3A_87 = arith.constant 0 : index
      %get3A_88 = arith.constant 0 : index
      %get3A_89 = vector.load %arg7[%get3A_87, %get3A_88] : memref<1x128xf32, #tpu.memory_space<vmem>>, vector<1x128xf32>
      %add3A_90 = arith.addf %dot_general3A_86, %get3A_89 : vector<1x128xf32>
      %neg3A = arith.constant 0.000000e+00 : f32
      %neg3A_91 = vector.broadcast %neg3A : f32 to vector<1x128xf32>
      %neg3A_92 = arith.subf %neg3A_91, %add3A_90 : vector<1x128xf32>
      %exp3A_93 = math.exp %neg3A_92 : vector<1x128xf32>
      %add3A_94 = arith.constant 1.000000e+00 : f32
      %add3A_95 = vector.broadcast %add3A_94 : f32 to vector<1x128xf32>
      %add3A_96 = arith.addf %add3A_95, %exp3A_93 : vector<1x128xf32>
      %div3A_97 = arith.constant 1.000000e+00 : f32
      %div3A_98 = vector.broadcast %div3A_97 : f32 to vector<1x128xf32>
      %div3A_99 = arith.divf %div3A_98, %add3A_96 : vector<1x128xf32>
      %swap3A_100 = arith.constant 0 : index
      %swap3A_101 = arith.constant 0 : index
      %swap3A_102 = vector.load %arg8[%swap3A_100, %swap3A_101] : memref<1x128xf32, #tpu.memory_space<vmem>>, vector<1x128xf32>
      tpu.vector_store %arg8[%swap3A_100, %swap3A_101], %div3A_99 {strides = array<i32>} : memref<1x128xf32, #tpu.memory_space<vmem>>, vector<1x128xf32>,
    } else {
    }
    return
  }
  func.func @transform_0(%arg0: i32) -> (i32, i32, i32) {
    %c0_i32 = arith.constant 0 : i32
    %c0_i32_0 = arith.constant 0 : i32
    %c0_i32_1 = arith.constant 0 : i32
    return %c0_i32, %arg0, %c0_i32_0 : i32, i32, i32
  }
  func.func @transform_1(%arg0: i32) -> (i32, i32, i32) {
    %c1_i32 = arith.constant 1 : i32
    %c0_i32 = arith.constant 0 : i32
    %c0_i32_0 = arith.constant 0 : i32
    return %c1_i32, %arg0, %c0_i32 : i32, i32, i32
  }
  func.func @transform_2(%arg0: i32) -> (i32, i32, i32) {
    %c2_i32 = arith.constant 2 : i32
    %c0_i32 = arith.constant 0 : i32
    %c0_i32_0 = arith.constant 0 : i32
    return %c2_i32, %arg0, %c0_i32 : i32, i32, i32
  }
  func.func @transform_3(%arg0: i32) -> (i32, i32) {
    %c0_i32 = arith.constant 0 : i32
    %c0_i32_0 = arith.constant 0 : i32
    %c0_i32_1 = arith.constant 0 : i32
    return %c0_i32, %c0_i32_0 : i32, i32
  }
  func.func @transform_4(%arg0: i32) -> (i32, i32) {
    %c0_i32 = arith.constant 0 : i32
    %c0_i32_0 = arith.constant 0 : i32
    %c0_i32_1 = arith.constant 0 : i32
    return %c0_i32, %c0_i32_0 : i32, i32
  }
  func.func @transform_5(%arg0: i32) -> (i32, i32) {
    %c0_i32 = arith.constant 0 : i32
    %c0_i32_0 = arith.constant 0 : i32
    %c0_i32_1 = arith.constant 0 : i32
    return %c0_i32, %c0_i32_0 : i32, i32
  }
  func.func @transform_6(%arg0: i32) -> (i32, i32) {
    %c0_i32 = arith.constant 0 : i32
    %c0_i32_0 = arith.constant 0 : i32
    %c0_i32_1 = arith.constant 0 : i32
    return %c0_i32, %c0_i32_0 : i32, i32
  }
  func.func @transform_7(%arg0: i32) -> (i32, i32) {
    %c0_i32 = arith.constant 0 : i32
    %c0_i32_0 = arith.constant 0 : i32
    %c0_i32_1 = arith.constant 0 : i32
    return %c0_i32, %c0_i32_0 : i32, i32
  }
}

</mosaic_0001>

<sc_bundles>
// kernel: kernel.4.cloned.1.call-start
scs
__scs_entry_jumppad:
0x0: {  	(pc) =	sbr.rel $0x88, $3  }
0x1: {  	(tag) =	ssettag $0x0;
	lr =	simm.s32 $0x1  }
0x2: {  	[smem:$0x3F9A] =	sst lr;
	_ =	strace $0xD0000000  }
0x3: {  	_ = 	snop  }
0x4: {  	_ = 	snop  }
0x5: {  	_ = 	snop  }
0x6: {  	_ = 	snop  }
0x7: {  	_ = 	snop  }
__scs_overlays_trampoline_lowered:
0x8: {  	[smem:$0x3FA9] =	sst s0  }
0x9: {  	[smem:$0x3FAA] =	sst s1  }
0xa: {  	[smem:$0x3FAB] =	sst s2  }
0xb: {  	[smem:$0x3FAC] =	sst s3  }
0xc: {  	[smem:$0x3FAD] =	sst s4  }
0xd: {  	[smem:$0x3FAE] =	sst s5  }
0xe: {  	[smem:$0x3FAF] =	sst s6  }
0xf: {  	[smem:$0x3FB0] =	sst s7  }
0x10: {  	[smem:$0x3FB1] =	sst s8  }
0x11: {  	[smem:$0x3FB2] =	sst s9;
	s0 =	simm.s32 @!p0 $0x0  }
0x12: {  	s1 =	sld [smem:$0x3F98];
	s0 =	simm.s32 @p0 $0x1  }
0x13: {  	[smem:$0x3FB3] =	sst s0;
	s0 =	simm.s32 @!p1 $0x0  }
0x14: {  	s2 =	sld [smem:$0x3F97];
	s0 =	simm.s32 @p1 $0x1  }
0x15: {  	[smem:$0x3FB4] =	sst s0;
	s0 =	simm.s32 @!p2 $0x0  }
0x16: {  	s3 =	sld [smem:$0x3FDB];
	s0 =	simm.s32 @p2 $0x1  }
0x17: {  	s4 =	simm.s32 $0x1BF5;
	[smem:$0x3FB6] =	sst s0  }
0x18: {  	s0 =	sld [smem:$0x3F99];
	_ =	swait.ge [sflag:s4], $0x0  }
0x19: {  	s7 =	sld [smem:$0x3F9A]  }
0x1a: {  	s8 =	sadd.s32 $0xFFFFE003, lr  }
0x1b: {  	s9 =	sadd.s32 $0xFFFFFEF7, lr;
	s5 =	simm.s32 $0xFFFFFFFF;
	p2 =	slt.u32 s8, $0xFFFFF086  }
0x1c: {  	p1 =	slt.u32 s9, $0xF7A;
	s5 =	simm.s32 @!p2 $0x0  }
0x1d: {  	s5 =	simm.s32 @p1 $0x1;
	p0 =	seq.s32 s7, s2  }
0x1e: {  	s7 =	smul.u32 @!p0 $0xF7A, s2;
	p2 =	seq.s32 @!p0 s5, $0x0  }
0x1f: {  	s9 =	smul.u32 $0xF7A, s1;
	s8 =	simm.s32 @!p0 $0x1BF5;
	p2 =	por !p2, p0  }
0x20: {  	[sflag:s8] =	ssyncset.s32 @!p0 $0xFFFFF086;
	s6 =	sadd.s32 @!p0 s3, s7;
	s7 =	simm.s32 @!p0 $0x108  }
0x21: {  	s3 =	sadd.s32 s3, s9;
	s6 =	sadd.s32 @!p0 $0x88, s6;
	s7 =	simm.s32 @p2 $0x1082  }
0x22: {  	[simem:s7], [sflag:s8] =	dma.local @!p0 [hbm:s6], $0xF7A  }
0x23: {  	s9 =	sor.u32 $0xD0000000, s2;
	s6 =	simm.s32 $0x108;
	_ =	swait.ge @!p0 [sflag:s8], $0x0  }
0x24: {  	s3 =	sadd.s32 $0x88, s3;
	s6 =	simm.s32 @!p1 $0x1082;
	[sflag:s4] =	ssyncset.s32 $0xFFFFF086  }
0x25: {  	[simem:s6], [sflag:s4] =	dma.local [hbm:s3], $0xF7A  }
0x26: {  	[smem:$0x3F9A] =	sst s1;
	(tag) =	ssettag s2;
	_ =	strace s9  }
0x27: {  	s1 =	sld [smem:$0x3FAA]  }
0x28: {  	s2 =	sld [smem:$0x3FAB]  }
0x29: {  	s4 =	sld [smem:$0x3FAD]  }
0x2a: {  	p0 =	seq.s32 s5, $0x0;
	s5 =	sld [smem:$0x3FAE]  }
0x2b: {  	s6 =	sld [smem:$0x3FAF]  }
0x2c: {  	s7 =	sld [smem:$0x3FB0]  }
0x2d: {  	s3 =	simm.s32 $0x108;
	s8 =	sld [smem:$0x3FB1]  }
0x2e: {  	s3 =	simm.s32 @!p0 $0x1082;
	s9 =	sld [smem:$0x3FB2]  }
0x2f: {  	lr =	sadd.s32 s0, s3;
	s0 =	sld [smem:$0x3FA9]  }
0x30: {  	s3 =	sld [smem:$0x3FAC]  }
0x31: {  	[smem:$0x3FB5] =	sst s10  }
0x32: {  	s10 =	sld [smem:$0x3FB3];
	_ =	sdelay $0x3  }
0x33: {  	p0 =	seq.s32 s10, $0x1;
	s10 =	sld [smem:$0x3FB5];
	_ =	sdelay $0x3  }
0x34: {  	[smem:$0x3FB5] =	sst s10  }
0x35: {  	s10 =	sld [smem:$0x3FB4];
	_ =	sdelay $0x3  }
0x36: {  	p1 =	seq.s32 s10, $0x1;
	s10 =	sld [smem:$0x3FB5];
	_ =	sdelay $0x3  }
0x37: {  	[smem:$0x3FB5] =	sst s10  }
0x38: {  	s10 =	sld [smem:$0x3FB6]  }
0x39: {  	_ = 	snop;
	(pc) =	sbr.ind lr, $3  }
0x3a: {  	_ = 	snop  }
0x3b: {  	_ = 	snop  }
0x3c: {  	p2 =	seq.s32 s10, $0x1;
	s10 =	sld [smem:$0x3FB5]  }
0x3d: {  	_ =	shalt  }
0x3e: {  	_ =	shalt  }
0x3f: {  	_ =	shalt  }
0x40: {  	_ =	shalt  }
0x41: {  	_ =	shalt  }
0x42: {  	_ =	shalt  }
0x43: {  	_ =	shalt  }
0x44: {  	_ =	shalt  }
0x45: {  	_ =	shalt  }
0x46: {  	_ =	shalt  }
0x47: {  	_ =	shalt  }
0x48: {  	_ =	shalt  }
0x49: {  	_ =	shalt  }
0x4a: {  	_ =	shalt  }
0x4b: {  	_ =	shalt  }
0x4c: {  	_ =	shalt  }
0x4d: {  	_ =	shalt  }
0x4e: {  	_ =	shalt  }
0x4f: {  	_ =	shalt  }
0x50: {  	_ =	shalt  }
0x51: {  	_ =	shalt  }
0x52: {  	_ =	shalt  }
0x53: {  	_ =	shalt  }
0x54: {  	_ =	shalt  }
0x55: {  	_ =	shalt  }
0x56: {  	_ =	shalt  }
0x57: {  	_ =	shalt  }
0x58: {  	_ =	shalt  }
0x59: {  	_ =	shalt  }
0x5a: {  	_ =	shalt  }
0x5b: {  	_ =	shalt  }
0x5c: {  	_ =	shalt  }
0x5d: {  	_ =	shalt  }
0x5e: {  	_ =	shalt  }
0x5f: {  	_ =	shalt  }
0x60: {  	_ =	shalt  }
0x61: {  	_ =	shalt  }
0x62: {  	_ =	shalt  }
0x63: {  	_ =	shalt  }
0x64: {  	_ =	shalt  }
0x65: {  	_ =	shalt  }
0x66: {  	_ =	shalt  }
0x67: {  	_ =	shalt  }
0x68: {  	_ =	shalt  }
0x69: {  	_ =	shalt  }
0x6a: {  	_ =	shalt  }
0x6b: {  	_ =	shalt  }
0x6c: {  	_ =	shalt  }
0x6d: {  	_ =	shalt  }
0x6e: {  	_ =	shalt  }
0x6f: {  	_ =	shalt  }
0x70: {  	_ =	shalt  }
0x71: {  	_ =	shalt  }
0x72: {  	_ =	shalt  }
0x73: {  	_ =	shalt  }
0x74: {  	_ =	shalt  }
0x75: {  	_ =	shalt  }
0x76: {  	_ =	shalt  }
0x77: {  	_ =	shalt  }
0x78: {  	_ =	shalt  }
0x79: {  	_ =	shalt  }
0x7a: {  	_ =	shalt  }
0x7b: {  	_ =	shalt  }
0x7c: {  	_ =	shalt  }
0x7d: {  	_ =	shalt  }
0x7e: {  	_ =	shalt  }
0x7f: {  	_ =	shalt  }
0x80: {  	_ =	shalt  }
0x81: {  	_ =	shalt  }
0x82: {  	_ =	shalt  }
0x83: {  	_ =	shalt  }
0x84: {  	_ =	shalt  }
0x85: {  	_ =	shalt  }
0x86: {  	_ =	shalt  }
0x87: {  	_ =	shalt  }
.Lfunc_end0:
.L_simem_size_0:
called_computation_lowered:
.L_overlay_start_0:
0x88: {  	s2 =	sld [smem:$0x3FD9]  }
0x89: {  	s3 =	sld [smem:$0x3FFE];
	_ =	sdelay $0x1  }
0x8a: {  	s1 =	srdreg.scid  }
0x8b: {  	s0 =	sand.u32 $0x1, s1  }
0x8c: {  	s17 =	sshll.u32 s0, $0xA;
	s2 =	sadd.s32 s3, s2  }
0x8d: {  	s2 =	sadd.s32 s2, s17  }
0x8e: {  	[smem:$0x3FC1] =	sst s2  }
0x8f: {  	_ = 	snop  }
0x90: {  	s2 =	sld [smem:$0x3FC8]  }
0x91: {  	s18 =	sld [smem:$0x3FC7];
	(tm) =	ssettm $0x1  }
0x92: {  	s4 =	sld [smem:$0x3FFB];
	_ =	sdelay $0x3  }
0x93: {  	_ =	strace s4  }
0x94: {  	s4 =	sld [smem:$0x3FFC];
	_ =	sdelay $0x3  }
0x95: {  	_ =	strace s4  }
0x96: {  	s4 =	sld [smem:$0x3FFD];
	_ =	sdelay $0x3  }
0x97: {  	_ =	strace s4  }
0x98: {  	_ =	strace $0x8FFFFFFF  }
0x99: {  	s19 =	sld [smem:$0x3FDB];
	_ =	sdelay $0x1  }
0x9a: {  	s5 =	simm.s32 $_scs_section_size  }
0x9b: {  	s6 =	simm.s32 $_size__tile_overlayer_lowered;
	s7 =	simm.s32 $_tile_overlayer_lowered  }
0x9c: {  	s22 =	simm.s32 $0x1BFF;
	s21 =	sshll.u32 s7, $0x1;
	s4 =	sadd.s32 s5, s19  }
0x9d: {  	s8 =	simm.s32 $0x0;
	s20 =	sshll.u32 s6, $0x1;
	s6 =	sadd.s32 s21, s4  }
0x9e: {  	[timem:s8], [sflag:s22] =	dma.local [hbm:s6], s20  }
0x9f: {  	_ =	swait.ge [sflag:s22], s20  }
0xa0: {  	s5 =	ssub.s32 $0x0, s20;
	[sflag:s22] =	ssyncset.done $0x0  }
0xa1: {  	[sflag:s22] =	ssyncadd.s32 s5;
	_ =	sdelay $0x1  }
0xa2: {  	s23 =	simm.s32 $0x1B8B  }
0xa3: {  	_ =	swait.ge [sflag:s23], $0x1  }
0xa4: {  	[sflag:s23] =	ssyncset.done $0x0  }
0xa5: {  	s25 =	simm.s32 $0x1B8E;
	s24 =	sld [smem:$0x3FFE];
	[sflag:s23] =	ssyncadd.s32 $0xFFFFFFFF  }
0xa6: {  	s26 =	simm.s32 $execute0_lowered;
	[smem:$0x3FD2] =	sst s25  }
0xa7: {  	s6 =	sshll.u32 s26, $0x1;
	_ =	strace $0x80000046;
	[dreg:$0x1] =	wrdreg $0xFFFFFFFF  }
0xa8: {  	s28 =	simm.s32 $_size_execute0_lowered;
	s4 =	sadd.s32 s4, s6;
	[dreg:$0x0] =	wrdreg $0x0  }
0xa9: {  	s6 =	sshll.u32 s28, $0x1;
	[dreg:$0x2] =	wrdreg s4  }
0xaa: {  	[dreg:$0x3] =	wrdreg s6  }
0xab: {  	[dreg:$0x4] =	wrdreg $0xC0  }
0xac: {  	_ =	task [dreg:s8], $0x5FFFF  }
0xad: {  	[dreg:$0x1] =	wrdreg $0xFFFFFFFF  }
0xae: {  	[dreg:$0x0] =	wrdreg $0x60  }
0xaf: {  	[dreg:$0x2] =	wrdreg s2  }
0xb0: {  	[dreg:$0x3] =	wrdreg s18  }
0xb1: {  	[dreg:$0x4] =	wrdreg s24  }
0xb2: {  	[dreg:$0x5] =	wrdreg $0x9  }
0xb3: {  	_ =	task.clear_ibuf [dreg:s8], $0x6FFFF;
	_ =	strace $0x90000046  }
0xb4: {  	s29 =	simm.s32 $0x9;
	_ =	strace $0x80000048  }
0xb5: {  	_ =	swait.ge [sflag:s29], $0x1  }
0xb6: {  	[sflag:s29] =	ssyncadd.s32 $0xFFFFFFFF  }
0xb7: {  	_ =	strace $0x90000048  }
0xb8: {  	_ =	sfence  }
0xb9: {  	s30 =	sld [smem:$0x0];
	_ =	sdelay $0x2  }
0xba: {  	s31 =	sshll.u32 s1, $0xD;
	s1 =	sshrl.u32 s1, $0x2  }
0xbb: {  	s3 =	sand.u32 $0x4000, s31;
	s1 =	sadd.s32 s1, s30  }
0xbc: {  	s0 =	sor.u32 s3, s0;
	s1 =	sshll.u32 s1, $0x11  }
0xbd: {  	s0 =	sor.u32 s1, s0  }
0xbe: {  	s0 =	sadd.s32 $0x8F2B, s0  }
0xbf: {  	[sflag:s0] =	ssyncadd.remote.s32 $0x1  }
0xc0: {  	_ =	sfence.sel $0xFFFF  }
0xc1: {  	[dreg:$0x0] =	wrdreg $0xFFFFFFFF;
	(pc) =	sbr.abs _section_cstart, $3  }
0xc2: {  	[dreg:$0x1] =	wrdreg $0xFFFFFFFF  }
0xc3: {  	_ =	task.clear_ibuf [dreg:s8], $0x2FFFF;
	_ =	strace $0x9FFFFFFF  }
0xc4: {  	(tm) =	ssettm $0x7FFFFFFF  }
0xc5: {  	_ =	shalt  }
tec
execute0_lowered:
.L_overlay_start_1:
0x0: {  	(tag) =	ssettag $0x1  }
0x1: {  	s2 =	rddreg [dreg:$0x0]  }
0x2: {  	s3 =	rddreg [dreg:$0x1]  }
0x3: {  	s5 =	rddreg [dreg:$0x2]  }
0x4: {  	s0 =	srdreg.scid;
	s4 =	simm.s32 $0x0;
	s1 =	stileid.u32  }
0x5: {  	s0 =	sand.u32 $0x1, s0;
	[smem:$0x7FF] =	sst s4;
	s6 =	sshll.u32 s1, $0xA  }
0x6: {  	s26 =	sadd.s32 $0xC00, s5;
	[dreg:$0x12] =	wrdreg s0;
	s7 =	sshll.u32 s0, $0x9  }
0x7: {  	s31 =	sadd.s32 $0x2400, s5;
	_ =	strace $0x80000047;
	s28 =	sor.u32 s7, s6  }
0x8: {  	s13 =	sor.u32 $0x80, s28;
	s6 =	sor.u32 $0x100, s28;
	s7 =	sor.u32 $0x180, s28  }
0x9: {  	s8 =	sor.u32 $0x4000, s28;
	s21 =	sor.u32 $0x4080, s28;
	s9 =	sshrl.u32 s28, $0x3  }
0xa: {  	s23 =	sor.u32 $0x4100, s28;
	s19 =	sshll.u32 s28, $0x4;
	s9 =	sadd.s32 s26, s9  }
0xb: {  	s10 =	sshrl.u32 s13, $0x3;
	s20 =	sadd.s32 s31, s19;
	[dreg:$0x4] =	wrdreg s9  }
0xc: {  	s15 =	sshrl.u32 s6, $0x3;
	s14 =	sadd.s32 s26, s10;
	[dreg:$0x8] =	wrdreg s20  }
0xd: {  	s17 =	sshrl.u32 s7, $0x3;
	s16 =	sadd.s32 s26, s15;
	[dreg:$0x5] =	wrdreg s14  }
0xe: {  	s22 =	sshrl.u32 s8, $0x3;
	s18 =	sadd.s32 s26, s17;
	[dreg:$0x6] =	wrdreg s16  }
0xf: {  	s5 =	sshll.u32 s13, $0x4;
	s24 =	sadd.s32 s26, s22;
	[dreg:$0x7] =	wrdreg s18  }
0x10: {  	s0 =	sshrl.u32 s21, $0x3;
	s5 =	sadd.s32 s31, s5;
	[dreg:$0x9] =	wrdreg s24  }
0x11: {  	s6 =	sshll.u32 s6, $0x4;
	s1 =	sadd.s32 s26, s0;
	[dreg:$0xa] =	wrdreg s5  }
0x12: {  	s12 =	sshll.u32 s7, $0x4;
	s9 =	sadd.s32 s31, s6;
	[dreg:$0xb] =	wrdreg s1  }
0x13: {  	s25 =	sor.u32 $0x4180, s28;
	s13 =	sadd.s32 s31, s12;
	[dreg:$0xc] =	wrdreg s9  }
0x14: {  	s29 =	sor.u32 $0x8000, s28;
	s10 =	sshrl.u32 s23, $0x3;
	[dreg:$0xe] =	wrdreg s13  }
0x15: {  	s17 =	sshrl.u32 s29, $0x3;
	s11 =	sadd.s32 s26, s10;
	s18 =	rddreg [dreg:$0x4]  }
0x16: {  	s14 =	sshrl.u32 s25, $0x3;
	s19 =	sadd.s32 s26, s17;
	[dreg:$0xd] =	wrdreg s11  }
0x17: {  	s16 =	sshll.u32 s8, $0x4;
	s15 =	sadd.s32 s26, s14;
	[dreg:$0x11] =	wrdreg s19  }
0x18: {  	[tilespmem:s4], [sflag:$0x9] =	stream.linear.gather [hbm4b:s18+s4], $0x80, $0x38;
	[tilespmem:$0x10200] =	vst v63  }
0x19: {  	s5 =	sadd.s32 s31, s16;
	[dreg:$0xf] =	wrdreg s15  }
0x1a: {  	[dreg:$0x10] =	wrdreg s5;
	s5 =	simm.s32 $0x9  }
0x1b: {  	_ =	swait.ge [sflag:s5], $0x80  }
0x1c: {  	[sflag:s5] =	ssyncset.done $0x0  }
0x1d: {  	s7 =	simm.s32 $0x200;
	s6 =	simm.s32 $0x80;
	[sflag:s5] =	ssyncadd.s32 $0xFFFFFF80  }
0x1e: {  	[tilespmem:s7], [sflag:$0x1] =	stream.indirect.gather [hbm4b:s2+s6], $0x80, s4, s6, $0xb8;
	[tilespmem:$0x10200] =	vst v63  }
0x1f: {  	s20 =	rddreg [dreg:$0x5]  }
0x20: {  	[tilespmem:s6], [sflag:$0x9] =	stream.linear.gather [hbm4b:s20+s4], $0x80, $0x38;
	[tilespmem:$0x10200] =	vst v63  }
0x21: {  	_ =	swait.ge [sflag:s5], $0x80  }
0x22: {  	[sflag:s5] =	ssyncset.done $0x0  }
0x23: {  	s8 =	simm.s32 $0x4200;
	[sflag:s5] =	ssyncadd.s32 $0xFFFFFF80  }
0x24: {  	[tilespmem:s8], [sflag:$0x2] =	stream.indirect.gather [hbm4b:s2+s6], $0x80, s6, s6, $0xb8;
	[tilespmem:$0x10200] =	vst v63  }
0x25: {  	s9 =	simm.s32 $0x100;
	s22 =	rddreg [dreg:$0x6]  }
0x26: {  	[tilespmem:s9], [sflag:$0x9] =	stream.linear.gather [hbm4b:s22+s4], $0x80, $0x38;
	[tilespmem:$0x10200] =	vst v63  }
0x27: {  	_ =	swait.ge [sflag:s5], $0x80  }
0x28: {  	[sflag:s5] =	ssyncset.done $0x0  }
0x29: {  	s10 =	simm.s32 $0x8200;
	[sflag:s5] =	ssyncadd.s32 $0xFFFFFF80  }
0x2a: {  	[tilespmem:s10], [sflag:$0x3] =	stream.indirect.gather [hbm4b:s2+s6], $0x80, s9, s6, $0xb8;
	[tilespmem:$0x10200] =	vst v63  }
0x2b: {  	s11 =	simm.s32 $0x180;
	s12 =	rddreg [dreg:$0x7]  }
0x2c: {  	[tilespmem:s11], [sflag:$0x9] =	stream.linear.gather [hbm4b:s12+s4], $0x80, $0x38;
	[tilespmem:$0x10200] =	vst v63  }
0x2d: {  	_ =	swait.ge [sflag:s5], $0x80  }
0x2e: {  	[sflag:s5] =	ssyncset.done $0x0  }
0x2f: {  	s13 =	simm.s32 $0x1;
	s12 =	simm.s32 $0xC200;
	[sflag:s5] =	ssyncadd.s32 $0xFFFFFF80  }
0x30: {  	[tilespmem:s12], [sflag:$0x4] =	stream.indirect.gather [hbm4b:s2+s6], $0x80, s11, s6, $0xb8;
	[tilespmem:$0x10200] =	vst v63  }
0x31: {  	_ =	swait.ge [sflag:s13], $0x4000  }
0x32: {  	[sflag:s13] =	ssyncset.done $0x0  }
0x33: {  	s14 =	simm.s32 $0x5;
	s15 =	rddreg [dreg:$0x8];
	[sflag:s13] =	ssyncadd.s32 $0xFFFFC000  }
0x34: {  	[hbm4b:s15+s4] =	stream.linear.scatter [tilespmem:s7], [sflag:$0x5], $0x4000, $0x38;
	[tilespmem:$0x10200] =	vst v63  }
0x35: {  	_ =	swait.ge [sflag:s14], $0x4000  }
0x36: {  	[sflag:s14] =	ssyncset.done $0x0  }
0x37: {  	s24 =	rddreg [dreg:$0x9];
	[sflag:s14] =	ssyncadd.s32 $0xFFFFC000  }
0x38: {  	[tilespmem:s4], [sflag:$0x9] =	stream.linear.gather [hbm4b:s24+s4], $0x80, $0x38;
	[tilespmem:$0x10200] =	vst v63  }
0x39: {  	_ =	swait.ge [sflag:s5], $0x80  }
0x3a: {  	[sflag:s5] =	ssyncset.done $0x0  }
0x3b: {  	s15 =	simm.s32 $0x2;
	[sflag:s5] =	ssyncadd.s32 $0xFFFFFF80  }
0x3c: {  	[tilespmem:s7], [sflag:$0x1] =	stream.indirect.gather [hbm4b:s3+s6], $0x80, s4, s6, $0xb8;
	[tilespmem:$0x10200] =	vst v63  }
0x3d: {  	_ =	swait.ge [sflag:s15], $0x4000  }
0x3e: {  	[sflag:s15] =	ssyncset.done $0x0  }
0x3f: {  	s16 =	simm.s32 $0x6;
	s17 =	rddreg [dreg:$0xa];
	[sflag:s15] =	ssyncadd.s32 $0xFFFFC000  }
0x40: {  	[hbm4b:s17+s4] =	stream.linear.scatter [tilespmem:s8], [sflag:$0x6], $0x4000, $0x38;
	[tilespmem:$0x10200] =	vst v63  }
0x41: {  	_ =	swait.ge [sflag:s16], $0x4000  }
0x42: {  	[sflag:s16] =	ssyncset.done $0x0  }
0x43: {  	s0 =	rddreg [dreg:$0xb];
	[sflag:s16] =	ssyncadd.s32 $0xFFFFC000  }
0x44: {  	[tilespmem:s6], [sflag:$0x9] =	stream.linear.gather [hbm4b:s0+s4], $0x80, $0x38;
	[tilespmem:$0x10200] =	vst v63  }
0x45: {  	_ =	swait.ge [sflag:s5], $0x80  }
0x46: {  	[sflag:s5] =	ssyncset.done $0x0  }
0x47: {  	s17 =	simm.s32 $0x3;
	[sflag:s5] =	ssyncadd.s32 $0xFFFFFF80  }
0x48: {  	[tilespmem:s8], [sflag:$0x2] =	stream.indirect.gather [hbm4b:s3+s6], $0x80, s6, s6, $0xb8;
	[tilespmem:$0x10200] =	vst v63  }
0x49: {  	_ =	swait.ge [sflag:s17], $0x4000  }
0x4a: {  	[sflag:s17] =	ssyncset.done $0x0  }
0x4b: {  	s18 =	rddreg [dreg:$0xc];
	[sflag:s17] =	ssyncadd.s32 $0xFFFFC000  }
0x4c: {  	[hbm4b:s18+s4] =	stream.linear.scatter [tilespmem:s10], [sflag:$0x7], $0x4000, $0x38;
	[tilespmem:$0x10200] =	vst v63  }
0x4d: {  	s18 =	simm.s32 $0x7  }
0x4e: {  	_ =	swait.ge [sflag:s18], $0x4000  }
0x4f: {  	[sflag:s18] =	ssyncset.done $0x0  }
0x50: {  	s19 =	rddreg [dreg:$0xd];
	[sflag:s18] =	ssyncadd.s32 $0xFFFFC000  }
0x51: {  	[tilespmem:s9], [sflag:$0x9] =	stream.linear.gather [hbm4b:s19+s4], $0x80, $0x38;
	[tilespmem:$0x10200] =	vst v63  }
0x52: {  	_ =	swait.ge [sflag:s5], $0x80  }
0x53: {  	[sflag:s5] =	ssyncset.done $0x0  }
0x54: {  	s19 =	simm.s32 $0x4;
	[sflag:s5] =	ssyncadd.s32 $0xFFFFFF80  }
0x55: {  	[tilespmem:s10], [sflag:$0x3] =	stream.indirect.gather [hbm4b:s3+s6], $0x80, s9, s6, $0xb8;
	[tilespmem:$0x10200] =	vst v63  }
0x56: {  	_ =	swait.ge [sflag:s19], $0x4000  }
0x57: {  	[sflag:s19] =	ssyncset.done $0x0  }
0x58: {  	s20 =	rddreg [dreg:$0xe];
	[sflag:s19] =	ssyncadd.s32 $0xFFFFC000  }
0x59: {  	[hbm4b:s20+s4] =	stream.linear.scatter [tilespmem:s12], [sflag:$0x8], $0x4000, $0x38;
	[tilespmem:$0x10200] =	vst v63  }
0x5a: {  	s20 =	simm.s32 $0x8  }
0x5b: {  	_ =	swait.ge [sflag:s20], $0x4000  }
0x5c: {  	[sflag:s20] =	ssyncset.done $0x0  }
0x5d: {  	s22 =	rddreg [dreg:$0xf];
	[sflag:s20] =	ssyncadd.s32 $0xFFFFC000  }
0x5e: {  	[tilespmem:s11], [sflag:$0x9] =	stream.linear.gather [hbm4b:s22+s4], $0x80, $0x38;
	[tilespmem:$0x10200] =	vst v63  }
0x5f: {  	_ =	swait.ge [sflag:s5], $0x80  }
0x60: {  	[sflag:s5] =	ssyncset.done $0x0  }
0x61: {  	[sflag:s5] =	ssyncadd.s32 $0xFFFFFF80  }
0x62: {  	[tilespmem:s12], [sflag:$0x4] =	stream.indirect.gather [hbm4b:s3+s6], $0x80, s11, s6, $0xb8;
	[tilespmem:$0x10200] =	vst v63  }
0x63: {  	_ =	swait.ge [sflag:s13], $0x4000  }
0x64: {  	[sflag:s13] =	ssyncset.done $0x0  }
0x65: {  	s1 =	rddreg [dreg:$0x10];
	[sflag:s13] =	ssyncadd.s32 $0xFFFFC000  }
0x66: {  	[hbm4b:s1+s4] =	stream.linear.scatter [tilespmem:s7], [sflag:$0x5], $0x4000, $0x38;
	[tilespmem:$0x10200] =	vst v63  }
0x67: {  	_ =	swait.ge [sflag:s14], $0x4000  }
0x68: {  	[sflag:s14] =	ssyncset.done $0x0  }
0x69: {  	s24 =	rddreg [dreg:$0x11];
	[sflag:s14] =	ssyncadd.s32 $0xFFFFC000  }
0x6a: {  	[tilespmem:s4], [sflag:$0x9] =	stream.linear.gather [hbm4b:s24+s4], $0x80, $0x38;
	[tilespmem:$0x10200] =	vst v63  }
0x6b: {  	_ =	swait.ge [sflag:s5], $0x80  }
0x6c: {  	[sflag:s5] =	ssyncset.done $0x0  }
0x6d: {  	[sflag:s5] =	ssyncadd.s32 $0xFFFFFF80  }
0x6e: {  	[tilespmem:s7], [sflag:$0x1] =	stream.indirect.gather [hbm4b:s2+s6], $0x80, s4, s6, $0xb8;
	[tilespmem:$0x10200] =	vst v63  }
0x6f: {  	_ =	swait.ge [sflag:s15], $0x4000  }
0x70: {  	s21 =	sshll.u32 s21, $0x4;
	[sflag:s15] =	ssyncset.done $0x0  }
0x71: {  	s21 =	sadd.s32 s31, s21;
	[sflag:s15] =	ssyncadd.s32 $0xFFFFC000  }
0x72: {  	[hbm4b:s21+s4] =	stream.linear.scatter [tilespmem:s8], [sflag:$0x6], $0x4000, $0x38;
	[tilespmem:$0x10200] =	vst v63  }
0x73: {  	s30 =	sor.u32 $0x8080, s28;
	_ =	swait.ge [sflag:s16], $0x4000  }
0x74: {  	s0 =	sshrl.u32 s30, $0x3;
	[sflag:s16] =	ssyncset.done $0x0  }
0x75: {  	s22 =	sadd.s32 s26, s0;
	[sflag:s16] =	ssyncadd.s32 $0xFFFFC000  }
0x76: {  	[tilespmem:s6], [sflag:$0x9] =	stream.linear.gather [hbm4b:s22+s4], $0x80, $0x38;
	[tilespmem:$0x10200] =	vst v63  }
0x77: {  	_ =	swait.ge [sflag:s5], $0x80  }
0x78: {  	[sflag:s5] =	ssyncset.done $0x0  }
0x79: {  	[sflag:s5] =	ssyncadd.s32 $0xFFFFFF80  }
0x7a: {  	[tilespmem:s8], [sflag:$0x2] =	stream.indirect.gather [hbm4b:s2+s6], $0x80, s6, s6, $0xb8;
	[tilespmem:$0x10200] =	vst v63  }
0x7b: {  	_ =	swait.ge [sflag:s17], $0x4000  }
0x7c: {  	s23 =	sshll.u32 s23, $0x4;
	[sflag:s17] =	ssyncset.done $0x0  }
0x7d: {  	s23 =	sadd.s32 s31, s23;
	[sflag:s17] =	ssyncadd.s32 $0xFFFFC000  }
0x7e: {  	[hbm4b:s23+s4] =	stream.linear.scatter [tilespmem:s10], [sflag:$0x7], $0x4000, $0x38;
	[tilespmem:$0x10200] =	vst v63  }
0x7f: {  	s1 =	sor.u32 $0x8100, s28;
	_ =	swait.ge [sflag:s18], $0x4000  }
0x80: {  	s24 =	sshrl.u32 s1, $0x3;
	[sflag:s18] =	ssyncset.done $0x0  }
0x81: {  	s24 =	sadd.s32 s26, s24;
	[sflag:s18] =	ssyncadd.s32 $0xFFFFC000  }
0x82: {  	[tilespmem:s9], [sflag:$0x9] =	stream.linear.gather [hbm4b:s24+s4], $0x80, $0x38;
	[tilespmem:$0x10200] =	vst v63  }
0x83: {  	_ =	swait.ge [sflag:s5], $0x80  }
0x84: {  	[sflag:s5] =	ssyncset.done $0x0  }
0x85: {  	[sflag:s5] =	ssyncadd.s32 $0xFFFFFF80  }
0x86: {  	[tilespmem:s10], [sflag:$0x3] =	stream.indirect.gather [hbm4b:s2+s6], $0x80, s9, s6, $0xb8;
	[tilespmem:$0x10200] =	vst v63  }
0x87: {  	_ =	swait.ge [sflag:s19], $0x4000  }
0x88: {  	s25 =	sshll.u32 s25, $0x4;
	[sflag:s19] =	ssyncset.done $0x0  }
0x89: {  	s25 =	sadd.s32 s31, s25;
	[sflag:s19] =	ssyncadd.s32 $0xFFFFC000  }
0x8a: {  	[hbm4b:s25+s4] =	stream.linear.scatter [tilespmem:s12], [sflag:$0x8], $0x4000, $0x38;
	[tilespmem:$0x10200] =	vst v63  }
0x8b: {  	s0 =	sor.u32 $0x8180, s28;
	_ =	swait.ge [sflag:s20], $0x4000  }
0x8c: {  	s28 =	sshrl.u32 s0, $0x3;
	[sflag:s20] =	ssyncset.done $0x0  }
0x8d: {  	s26 =	sadd.s32 s26, s28;
	[sflag:s20] =	ssyncadd.s32 $0xFFFFC000  }
0x8e: {  	[tilespmem:s11], [sflag:$0x9] =	stream.linear.gather [hbm4b:s26+s4], $0x80, $0x38;
	[tilespmem:$0x10200] =	vst v63  }
0x8f: {  	_ =	swait.ge [sflag:s5], $0x80  }
0x90: {  	[sflag:s5] =	ssyncset.done $0x0  }
0x91: {  	[sflag:s5] =	ssyncadd.s32 $0xFFFFFF80  }
0x92: {  	[tilespmem:s12], [sflag:$0x4] =	stream.indirect.gather [hbm4b:s2+s6], $0x80, s11, s6, $0xb8;
	[tilespmem:$0x10200] =	vst v63  }
0x93: {  	_ =	swait.ge [sflag:s13], $0x4000  }
0x94: {  	s28 =	sshll.u32 s29, $0x4;
	[sflag:s13] =	ssyncset.done $0x0  }
0x95: {  	s28 =	sadd.s32 s31, s28;
	[sflag:s13] =	ssyncadd.s32 $0xFFFFC000  }
0x96: {  	[hbm4b:s28+s4] =	stream.linear.scatter [tilespmem:s7], [sflag:$0x5], $0x4000, $0x38;
	[tilespmem:$0x10200] =	vst v63  }
0x97: {  	_ =	swait.ge [sflag:s15], $0x4000  }
0x98: {  	s29 =	sshll.u32 s30, $0x4;
	[sflag:s15] =	ssyncset.done $0x0  }
0x99: {  	s29 =	sadd.s32 s31, s29;
	[sflag:s15] =	ssyncadd.s32 $0xFFFFC000  }
0x9a: {  	[hbm4b:s29+s4] =	stream.linear.scatter [tilespmem:s8], [sflag:$0x6], $0x4000, $0x38;
	[tilespmem:$0x10200] =	vst v63  }
0x9b: {  	_ =	swait.ge [sflag:s17], $0x4000  }
0x9c: {  	s1 =	sshll.u32 s1, $0x4;
	[sflag:s17] =	ssyncset.done $0x0  }
0x9d: {  	s30 =	sadd.s32 s31, s1;
	[sflag:s17] =	ssyncadd.s32 $0xFFFFC000  }
0x9e: {  	[hbm4b:s30+s4] =	stream.linear.scatter [tilespmem:s10], [sflag:$0x7], $0x4000, $0x38;
	[tilespmem:$0x10200] =	vst v63  }
0x9f: {  	_ =	swait.ge [sflag:s19], $0x4000  }
0xa0: {  	s0 =	sshll.u32 s0, $0x4;
	[sflag:s19] =	ssyncset.done $0x0  }
0xa1: {  	s31 =	sadd.s32 s31, s0;
	[sflag:s19] =	ssyncadd.s32 $0xFFFFC000  }
0xa2: {  	[hbm4b:s31+s4] =	stream.linear.scatter [tilespmem:s12], [sflag:$0x8], $0x4000, $0x38;
	[tilespmem:$0x10200] =	vst v63  }
0xa3: {  	_ =	swait.ge [sflag:s14], $0x4000  }
0xa4: {  	[sflag:s14] =	ssyncset.done $0x0  }
0xa5: {  	[sflag:s14] =	ssyncadd.s32 $0xFFFFC000  }
0xa6: {  	_ =	swait.ge [sflag:s16], $0x4000  }
0xa7: {  	s1 =	rddreg [dreg:$0x12]  }
0xa8: {  	s0 =	ssub.s32 $0x2, s1  }
0xa9: {  	s1 =	sshrl.u32 s0, $0x1  }
0xaa: {  	s0 =	ssub.s32 s0, s1  }
0xab: {  	s0 =	smax.u32 s0, $0x1  }
0xac: {  	[sflag:s16] =	ssyncset.done $0x0;
	p0 =	sne.s32 s0, $0x1  }
.Ltmp0:
0xad: {  	[sflag:s16] =	ssyncadd.s32 $0xFFFFC000;
	(pc) =	sbr.rel @!p0 .LBB2_2-.Ltmp0, $4  }
0xae: {  	_ =	swait.ge [sflag:s18], $0x4000  }
0xaf: {  	[sflag:s18] =	ssyncset.done $0x0  }
0xb0: {  	[sflag:s18] =	ssyncadd.s32 $0xFFFFC000  }
0xb1: {  	s0 =	sadd.s32 $0xFFFFFFFF, s0;
	_ =	swait.ge [sflag:s20], $0x4000  }
.LBB2_1:
0xb2: {  	[sflag:s20] =	ssyncset.done $0x0  }
0xb3: {  	s1 =	rddreg [dreg:$0x4];
	[sflag:s20] =	ssyncadd.s32 $0xFFFFC000  }
0xb4: {  	[tilespmem:s4], [sflag:$0x9] =	stream.linear.gather [hbm4b:s1+s4], $0x80, $0x38;
	[tilespmem:$0x10200] =	vst v63  }
0xb5: {  	_ =	swait.ge [sflag:s5], $0x80  }
0xb6: {  	[sflag:s5] =	ssyncset.done $0x0  }
0xb7: {  	[sflag:s5] =	ssyncadd.s32 $0xFFFFFF80  }
0xb8: {  	[tilespmem:s7], [sflag:$0x1] =	stream.indirect.gather [hbm4b:s2+s6], $0x80, s4, s6, $0xb8;
	[tilespmem:$0x10200] =	vst v63  }
0xb9: {  	s1 =	rddreg [dreg:$0x5]  }
0xba: {  	[tilespmem:s6], [sflag:$0x9] =	stream.linear.gather [hbm4b:s1+s4], $0x80, $0x38;
	[tilespmem:$0x10200] =	vst v63  }
0xbb: {  	_ =	swait.ge [sflag:s5], $0x80  }
0xbc: {  	[sflag:s5] =	ssyncset.done $0x0  }
0xbd: {  	[sflag:s5] =	ssyncadd.s32 $0xFFFFFF80  }
0xbe: {  	[tilespmem:s8], [sflag:$0x2] =	stream.indirect.gather [hbm4b:s2+s6], $0x80, s6, s6, $0xb8;
	[tilespmem:$0x10200] =	vst v63  }
0xbf: {  	s1 =	rddreg [dreg:$0x6]  }
0xc0: {  	[tilespmem:s9], [sflag:$0x9] =	stream.linear.gather [hbm4b:s1+s4], $0x80, $0x38;
	[tilespmem:$0x10200] =	vst v63  }
0xc1: {  	_ =	swait.ge [sflag:s5], $0x80  }
0xc2: {  	[sflag:s5] =	ssyncset.done $0x0  }
0xc3: {  	[sflag:s5] =	ssyncadd.s32 $0xFFFFFF80  }
0xc4: {  	[tilespmem:s10], [sflag:$0x3] =	stream.indirect.gather [hbm4b:s2+s6], $0x80, s9, s6, $0xb8;
	[tilespmem:$0x10200] =	vst v63  }
0xc5: {  	s1 =	rddreg [dreg:$0x7]  }
0xc6: {  	[tilespmem:s11], [sflag:$0x9] =	stream.linear.gather [hbm4b:s1+s4], $0x80, $0x38;
	[tilespmem:$0x10200] =	vst v63  }
0xc7: {  	_ =	swait.ge [sflag:s5], $0x80  }
0xc8: {  	[sflag:s5] =	ssyncset.done $0x0  }
0xc9: {  	[sflag:s5] =	ssyncadd.s32 $0xFFFFFF80  }
0xca: {  	[tilespmem:s12], [sflag:$0x4] =	stream.indirect.gather [hbm4b:s2+s6], $0x80, s11, s6, $0xb8;
	[tilespmem:$0x10200] =	vst v63  }
0xcb: {  	_ =	swait.ge [sflag:s13], $0x4000  }
0xcc: {  	[sflag:s13] =	ssyncset.done $0x0  }
0xcd: {  	s1 =	rddreg [dreg:$0x8];
	[sflag:s13] =	ssyncadd.s32 $0xFFFFC000  }
0xce: {  	[hbm4b:s1+s4] =	stream.linear.scatter [tilespmem:s7], [sflag:$0x5], $0x4000, $0x38;
	[tilespmem:$0x10200] =	vst v63  }
0xcf: {  	_ =	swait.ge [sflag:s14], $0x4000  }
0xd0: {  	[sflag:s14] =	ssyncset.done $0x0  }
0xd1: {  	s1 =	rddreg [dreg:$0x9];
	[sflag:s14] =	ssyncadd.s32 $0xFFFFC000  }
0xd2: {  	[tilespmem:s4], [sflag:$0x9] =	stream.linear.gather [hbm4b:s1+s4], $0x80, $0x38;
	[tilespmem:$0x10200] =	vst v63  }
0xd3: {  	_ =	swait.ge [sflag:s5], $0x80  }
0xd4: {  	[sflag:s5] =	ssyncset.done $0x0  }
0xd5: {  	[sflag:s5] =	ssyncadd.s32 $0xFFFFFF80  }
0xd6: {  	[tilespmem:s7], [sflag:$0x1] =	stream.indirect.gather [hbm4b:s3+s6], $0x80, s4, s6, $0xb8;
	[tilespmem:$0x10200] =	vst v63  }
0xd7: {  	_ =	swait.ge [sflag:s15], $0x4000  }
0xd8: {  	[sflag:s15] =	ssyncset.done $0x0  }
0xd9: {  	s1 =	rddreg [dreg:$0xa];
	[sflag:s15] =	ssyncadd.s32 $0xFFFFC000  }
0xda: {  	[hbm4b:s1+s4] =	stream.linear.scatter [tilespmem:s8], [sflag:$0x6], $0x4000, $0x38;
	[tilespmem:$0x10200] =	vst v63  }
0xdb: {  	_ =	swait.ge [sflag:s16], $0x4000  }
0xdc: {  	[sflag:s16] =	ssyncset.done $0x0  }
0xdd: {  	s1 =	rddreg [dreg:$0xb];
	[sflag:s16] =	ssyncadd.s32 $0xFFFFC000  }
0xde: {  	[tilespmem:s6], [sflag:$0x9] =	stream.linear.gather [hbm4b:s1+s4], $0x80, $0x38;
	[tilespmem:$0x10200] =	vst v63  }
0xdf: {  	_ =	swait.ge [sflag:s5], $0x80  }
0xe0: {  	[sflag:s5] =	ssyncset.done $0x0  }
0xe1: {  	[sflag:s5] =	ssyncadd.s32 $0xFFFFFF80  }
0xe2: {  	[tilespmem:s8], [sflag:$0x2] =	stream.indirect.gather [hbm4b:s3+s6], $0x80, s6, s6, $0xb8;
	[tilespmem:$0x10200] =	vst v63  }
0xe3: {  	_ =	swait.ge [sflag:s17], $0x4000  }
0xe4: {  	[sflag:s17] =	ssyncset.done $0x0  }
0xe5: {  	s1 =	rddreg [dreg:$0xc];
	[sflag:s17] =	ssyncadd.s32 $0xFFFFC000  }
0xe6: {  	[hbm4b:s1+s4] =	stream.linear.scatter [tilespmem:s10], [sflag:$0x7], $0x4000, $0x38;
	[tilespmem:$0x10200] =	vst v63  }
0xe7: {  	_ =	swait.ge [sflag:s18], $0x4000  }
0xe8: {  	[sflag:s18] =	ssyncset.done $0x0  }
0xe9: {  	s1 =	rddreg [dreg:$0xd];
	[sflag:s18] =	ssyncadd.s32 $0xFFFFC000  }
0xea: {  	[tilespmem:s9], [sflag:$0x9] =	stream.linear.gather [hbm4b:s1+s4], $0x80, $0x38;
	[tilespmem:$0x10200] =	vst v63  }
0xeb: {  	_ =	swait.ge [sflag:s5], $0x80  }
0xec: {  	[sflag:s5] =	ssyncset.done $0x0  }
0xed: {  	[sflag:s5] =	ssyncadd.s32 $0xFFFFFF80  }
0xee: {  	[tilespmem:s10], [sflag:$0x3] =	stream.indirect.gather [hbm4b:s3+s6], $0x80, s9, s6, $0xb8;
	[tilespmem:$0x10200] =	vst v63  }
0xef: {  	_ =	swait.ge [sflag:s19], $0x4000  }
0xf0: {  	[sflag:s19] =	ssyncset.done $0x0  }
0xf1: {  	s1 =	rddreg [dreg:$0xe];
	[sflag:s19] =	ssyncadd.s32 $0xFFFFC000  }
0xf2: {  	[hbm4b:s1+s4] =	stream.linear.scatter [tilespmem:s12], [sflag:$0x8], $0x4000, $0x38;
	[tilespmem:$0x10200] =	vst v63  }
0xf3: {  	_ =	swait.ge [sflag:s20], $0x4000  }
0xf4: {  	[sflag:s20] =	ssyncset.done $0x0  }
0xf5: {  	s1 =	rddreg [dreg:$0xf];
	[sflag:s20] =	ssyncadd.s32 $0xFFFFC000  }
0xf6: {  	[tilespmem:s11], [sflag:$0x9] =	stream.linear.gather [hbm4b:s1+s4], $0x80, $0x38;
	[tilespmem:$0x10200] =	vst v63  }
0xf7: {  	_ =	swait.ge [sflag:s5], $0x80  }
0xf8: {  	[sflag:s5] =	ssyncset.done $0x0  }
0xf9: {  	[sflag:s5] =	ssyncadd.s32 $0xFFFFFF80  }
0xfa: {  	[tilespmem:s12], [sflag:$0x4] =	stream.indirect.gather [hbm4b:s3+s6], $0x80, s11, s6, $0xb8;
	[tilespmem:$0x10200] =	vst v63  }
0xfb: {  	_ =	swait.ge [sflag:s13], $0x4000  }
0xfc: {  	[sflag:s13] =	ssyncset.done $0x0  }
0xfd: {  	s1 =	rddreg [dreg:$0x10];
	[sflag:s13] =	ssyncadd.s32 $0xFFFFC000  }
0xfe: {  	[hbm4b:s1+s4] =	stream.linear.scatter [tilespmem:s7], [sflag:$0x5], $0x4000, $0x38;
	[tilespmem:$0x10200] =	vst v63  }
0xff: {  	_ =	swait.ge [sflag:s14], $0x4000  }
0x100: {  	[sflag:s14] =	ssyncset.done $0x0  }
0x101: {  	s1 =	rddreg [dreg:$0x11];
	[sflag:s14] =	ssyncadd.s32 $0xFFFFC000  }
0x102: {  	[tilespmem:s4], [sflag:$0x9] =	stream.linear.gather [hbm4b:s1+s4], $0x80, $0x38;
	[tilespmem:$0x10200] =	vst v63  }
0x103: {  	_ =	swait.ge [sflag:s5], $0x80  }
0x104: {  	[sflag:s5] =	ssyncset.done $0x0  }
0x105: {  	[sflag:s5] =	ssyncadd.s32 $0xFFFFFF80  }
0x106: {  	[tilespmem:s7], [sflag:$0x1] =	stream.indirect.gather [hbm4b:s2+s6], $0x80, s4, s6, $0xb8;
	[tilespmem:$0x10200] =	vst v63  }
0x107: {  	_ =	swait.ge [sflag:s15], $0x4000  }
0x108: {  	[sflag:s15] =	ssyncset.done $0x0  }
0x109: {  	[sflag:s15] =	ssyncadd.s32 $0xFFFFC000  }
0x10a: {  	[hbm4b:s21+s4] =	stream.linear.scatter [tilespmem:s8], [sflag:$0x6], $0x4000, $0x38;
	[tilespmem:$0x10200] =	vst v63  }
0x10b: {  	_ =	swait.ge [sflag:s16], $0x4000  }
0x10c: {  	[sflag:s16] =	ssyncset.done $0x0  }
0x10d: {  	[sflag:s16] =	ssyncadd.s32 $0xFFFFC000  }
0x10e: {  	[tilespmem:s6], [sflag:$0x9] =	stream.linear.gather [hbm4b:s22+s4], $0x80, $0x38;
	[tilespmem:$0x10200] =	vst v63  }
0x10f: {  	_ =	swait.ge [sflag:s5], $0x80  }
0x110: {  	[sflag:s5] =	ssyncset.done $0x0  }
0x111: {  	[sflag:s5] =	ssyncadd.s32 $0xFFFFFF80  }
0x112: {  	[tilespmem:s8], [sflag:$0x2] =	stream.indirect.gather [hbm4b:s2+s6], $0x80, s6, s6, $0xb8;
	[tilespmem:$0x10200] =	vst v63  }
0x113: {  	_ =	swait.ge [sflag:s17], $0x4000  }
0x114: {  	[sflag:s17] =	ssyncset.done $0x0  }
0x115: {  	[sflag:s17] =	ssyncadd.s32 $0xFFFFC000  }
0x116: {  	[hbm4b:s23+s4] =	stream.linear.scatter [tilespmem:s10], [sflag:$0x7], $0x4000, $0x38;
	[tilespmem:$0x10200] =	vst v63  }
0x117: {  	_ =	swait.ge [sflag:s18], $0x4000  }
0x118: {  	[sflag:s18] =	ssyncset.done $0x0  }
0x119: {  	[sflag:s18] =	ssyncadd.s32 $0xFFFFC000  }
0x11a: {  	[tilespmem:s9], [sflag:$0x9] =	stream.linear.gather [hbm4b:s24+s4], $0x80, $0x38;
	[tilespmem:$0x10200] =	vst v63  }
0x11b: {  	_ =	swait.ge [sflag:s5], $0x80  }
0x11c: {  	[sflag:s5] =	ssyncset.done $0x0  }
0x11d: {  	[sflag:s5] =	ssyncadd.s32 $0xFFFFFF80  }
0x11e: {  	[tilespmem:s10], [sflag:$0x3] =	stream.indirect.gather [hbm4b:s2+s6], $0x80, s9, s6, $0xb8;
	[tilespmem:$0x10200] =	vst v63  }
0x11f: {  	_ =	swait.ge [sflag:s19], $0x4000  }
0x120: {  	[sflag:s19] =	ssyncset.done $0x0  }
0x121: {  	[sflag:s19] =	ssyncadd.s32 $0xFFFFC000  }
0x122: {  	[hbm4b:s25+s4] =	stream.linear.scatter [tilespmem:s12], [sflag:$0x8], $0x4000, $0x38;
	[tilespmem:$0x10200] =	vst v63  }
0x123: {  	_ =	swait.ge [sflag:s20], $0x4000  }
0x124: {  	[sflag:s20] =	ssyncset.done $0x0  }
0x125: {  	[sflag:s20] =	ssyncadd.s32 $0xFFFFC000  }
0x126: {  	[tilespmem:s11], [sflag:$0x9] =	stream.linear.gather [hbm4b:s26+s4], $0x80, $0x38;
	[tilespmem:$0x10200] =	vst v63  }
0x127: {  	_ =	swait.ge [sflag:s5], $0x80  }
0x128: {  	[sflag:s5] =	ssyncset.done $0x0  }
0x129: {  	[sflag:s5] =	ssyncadd.s32 $0xFFFFFF80  }
0x12a: {  	[tilespmem:s12], [sflag:$0x4] =	stream.indirect.gather [hbm4b:s2+s6], $0x80, s11, s6, $0xb8;
	[tilespmem:$0x10200] =	vst v63  }
0x12b: {  	_ =	swait.ge [sflag:s13], $0x4000  }
0x12c: {  	[sflag:s13] =	ssyncset.done $0x0  }
0x12d: {  	[sflag:s13] =	ssyncadd.s32 $0xFFFFC000  }
0x12e: {  	[hbm4b:s28+s4] =	stream.linear.scatter [tilespmem:s7], [sflag:$0x5], $0x4000, $0x38;
	[tilespmem:$0x10200] =	vst v63  }
0x12f: {  	_ =	swait.ge [sflag:s15], $0x4000  }
0x130: {  	[sflag:s15] =	ssyncset.done $0x0  }
0x131: {  	[sflag:s15] =	ssyncadd.s32 $0xFFFFC000  }
0x132: {  	[hbm4b:s29+s4] =	stream.linear.scatter [tilespmem:s8], [sflag:$0x6], $0x4000, $0x38;
	[tilespmem:$0x10200] =	vst v63  }
0x133: {  	_ =	swait.ge [sflag:s17], $0x4000  }
0x134: {  	[sflag:s17] =	ssyncset.done $0x0  }
0x135: {  	[sflag:s17] =	ssyncadd.s32 $0xFFFFC000  }
0x136: {  	[hbm4b:s30+s4] =	stream.linear.scatter [tilespmem:s10], [sflag:$0x7], $0x4000, $0x38;
	[tilespmem:$0x10200] =	vst v63  }
0x137: {  	_ =	swait.ge [sflag:s19], $0x4000  }
0x138: {  	[sflag:s19] =	ssyncset.done $0x0  }
0x139: {  	[sflag:s19] =	ssyncadd.s32 $0xFFFFC000  }
0x13a: {  	[hbm4b:s31+s4] =	stream.linear.scatter [tilespmem:s12], [sflag:$0x8], $0x4000, $0x38;
	[tilespmem:$0x10200] =	vst v63  }
0x13b: {  	_ =	swait.ge [sflag:s14], $0x4000  }
0x13c: {  	[sflag:s14] =	ssyncset.done $0x0  }
0x13d: {  	[sflag:s14] =	ssyncadd.s32 $0xFFFFC000  }
0x13e: {  	_ =	swait.ge [sflag:s16], $0x4000  }
0x13f: {  	p0 =	sne.s32 s0, $0x1;
	[sflag:s16] =	ssyncset.done $0x0  }
.Ltmp1:
0x140: {  	[sflag:s16] =	ssyncadd.s32 $0xFFFFC000;
	(pc) =	sbr.rel @p0 .LBB2_1-.Ltmp1, $4  }
0x141: {  	_ =	swait.ge [sflag:s18], $0x4000  }
0x142: {  	[sflag:s18] =	ssyncset.done $0x0  }
0x143: {  	[sflag:s18] =	ssyncadd.s32 $0xFFFFC000  }
0x144: {  	s0 =	sadd.s32 $0xFFFFFFFF, s0;
	_ =	swait.ge [sflag:s20], $0x4000  }
.LBB2_2:
0x145: {  	[sflag:s20] =	ssyncset.done $0x0  }
0x146: {  	[sflag:s20] =	ssyncadd.s32 $0xFFFFC000  }
0x147: {  	_ =	sfence.sel $0x180000  }
0x148: {  	[bflag:$0x0] =	sbarrier.arrive $0xFFFF  }
0x149: {  	_ =	strace $0x90000047  }
0x14a: {  	s0 =	stileid.u32;
	[bflag:$0x2] =	sbarrier.arrive $0xFFFF  }
0x14b: {  	p0 =	sne.s32 s0, $0x0;
	s0 =	rddreg [dreg:$0x3]  }
0x14c: {  	s0 =	sadd.s32 @!p0 $0x100000, s0  }
0x14d: {  	[sflag:s0] =	ssyncadd.tile.s32 @!p0 $0x1;
	_ =	shalt  }
.Lfunc_end2:
_tile_overlayer_lowered:
.L_overlay_start_2:
0x14e: {  	(tag) =	ssettag $0x2  }
0x14f: {  	s0 =	rddreg [dreg:$0x0];
	s2 =	stileid.u32  }
0x150: {  	s1 =	rddreg [dreg:$0x1];
	p0 =	sne.s32 s2, $0x0  }
0x151: {  	s3 =	rddreg [dreg:$0x2];
	[bflag:$0x3] =	sbarrier.arrive $0xFFFF;
	s2 =	simm.s32 @!p0 $0x1C09  }
0x152: {  	[timem:s3], [sflag:s2] =	dma.local @!p0 [hbm:s0], s1  }
0x153: {  	s0 =	simm.s32 @!p0 $0x9  }
0x154: {  	_ =	swait.ge @!p0 [sflag:s0], s1  }
0x155: {  	s1 =	ssub.s32 @!p0 $0x0, s1;
	[sflag:s0] =	ssyncset.done @!p0 $0x0  }
0x156: {  	[sflag:s0] =	ssyncadd.s32 @!p0 s1  }
0x157: {  	[bflag:$0x3] =	sbarrier.arrive $0xFFFF  }
0x158: {  	_ =	shalt  }

</sc_bundles>
